<compile_context>
chip_gen: v7x
topology: tpu7x:2x2x1
jax: 0.10.2.dev20260603
libtpu: 0.0.44.dev20260713+nightly
codegen_flags: <defaults>
</compile_context>

<pallas_src>
import jax
import jax.numpy as jnp
from jax.experimental import pallas as pl
import jax.experimental.pallas.tpu as pltpu
import jax.experimental.pallas.tpu_sc as plsc

_H = 128
_NTOK = 3
_VTILE = 2048
_SC_WINDOW = 16


def _sc_gather(emb, idx):
    n = idx.shape[0]
    h = emb.shape[1]
    idx2 = idx.reshape(n // _SC_WINDOW, _SC_WINDOW)

    @pl.kernel(
        out_type=jax.ShapeDtypeStruct((n, h), emb.dtype),
        mesh=plsc.VectorSubcoreMesh(core_axis_name="c", subcore_axis_name="s"),
    )
    def gather_kernel(emb_hbm, i_hbm, o_hbm):
        def body(i_vmem, o_vmem):
            pltpu.sync_copy(emb_hbm.at[i_vmem.at[0]], o_vmem)

        pltpu.emit_pipeline(
            body,
            grid=(n // _SC_WINDOW,),
            in_specs=[pl.BlockSpec((1, _SC_WINDOW), lambda i: (i, 0))],
            out_specs=[pl.BlockSpec((_SC_WINDOW, h), lambda i: (i, 0))],
            core_axis_name=("c", "s"),
            dimension_semantics=(pltpu.PARALLEL,),
        )(i_hbm, o_hbm)

    return gather_kernel(emb, idx2)


def _fused_body(g_ref, w01_ref, w03_ref, w11_ref, w13_ref,
                outw_ref, outb_ref, out_ref, h2_ref):
    j = pl.program_id(0)

    @pl.when(j == 0)
    def _():
        nrows = g_ref.shape[0]
        b = nrows // _NTOK
        t0 = g_ref[0 * b:1 * b, :]
        t1 = g_ref[1 * b:2 * b, :]
        t2 = g_ref[2 * b:3 * b, :]

        def mm(a, w_ref):
            return jax.lax.dot(a, w_ref[...],
                               preferred_element_type=jnp.float32)

        a1 = jax.nn.relu((mm(t1, w01_ref) + mm(t2, w03_ref)) * 0.5)
        a0 = jax.nn.relu((mm(t0, w01_ref) + mm(t1, w03_ref)) * 0.5)
        h2_ref[...] = jax.nn.relu((mm(a0, w11_ref) + mm(a1, w13_ref)) * 0.5)

    out_ref[...] = jax.lax.dot(
        h2_ref[...], outw_ref[...],
        preferred_element_type=jnp.float32) + outb_ref[...]


def kernel(x, emb, rel_w, out_w, out_b, edge_src, edge_dst, edge_rel):
    B, L = x.shape
    V = out_w.shape[1]
    H = emb.shape[1]
    del edge_src, edge_dst, edge_rel

    idx = x[:, L - _NTOK:].T.reshape(-1)

    w01 = rel_w[0, 1]
    w03 = rel_w[0, 3]
    w11 = rel_w[1, 1]
    w13 = rel_w[1, 3]

    n_tiles = pl.cdiv(V, _VTILE)
    Vp = n_tiles * _VTILE
    outw_p = jnp.pad(out_w, ((0, 0), (0, Vp - V)))
    outb_p = jnp.pad(out_b, (0, Vp - V)).reshape(1, Vp)

    g = _sc_gather(emb, idx)

    pred_p = pl.pallas_call(
        _fused_body,
        grid=(n_tiles,),
        in_specs=[
            pl.BlockSpec((_NTOK * B, H), lambda j: (0, 0)),
            pl.BlockSpec((H, H), lambda j: (0, 0)),
            pl.BlockSpec((H, H), lambda j: (0, 0)),
            pl.BlockSpec((H, H), lambda j: (0, 0)),
            pl.BlockSpec((H, H), lambda j: (0, 0)),
            pl.BlockSpec((H, _VTILE), lambda j: (0, j)),
            pl.BlockSpec((1, _VTILE), lambda j: (0, j)),
        ],
        out_specs=pl.BlockSpec((B, _VTILE), lambda j: (0, j)),
        scratch_shapes=[pltpu.VMEM((B, H), jnp.float32)],
        out_shape=jax.ShapeDtypeStruct((B, Vp), jnp.float32),
    )(g, w01, w03, w11, w13, outw_p, outb_p)

    return pred_p[:, :V]

# --- scband reference (transcript-rebuilt; emitter-appended) ---
"""Pipeline reference for scband-seq-ggnn-59210419143216 (READ-ONLY COPY).

The authoritative reference and input builder live on the scoring server;
editing this copy changes nothing except your own understanding.
"""

import jax, jax.numpy as jnp
import numpy as np

B, L = 128, 512
V = 10000
H = 128
NUM_LAYERS = 2
NUM_RELS = 24
N = B * L


def _build_edges():
    # SeqGGNN graph construction: per sequence i, self edges (rel id 3) for every
    # position, then chain edges j -> j+1 (rel id 1).
    base = np.arange(B, dtype=np.int32)[:, None] * L
    self_src = (base + np.arange(L, dtype=np.int32)[None, :]).reshape(-1)
    chain_src = (base + np.arange(L - 1, dtype=np.int32)[None, :]).reshape(-1)
    chain_dst = chain_src + 1
    src = np.concatenate([self_src, chain_src])
    dst = np.concatenate([self_src, chain_dst])
    rel = np.concatenate([
        np.full(self_src.shape, 3, dtype=np.int32),
        np.full(chain_src.shape, 1, dtype=np.int32),
    ])
    return src, dst, rel


def setup_inputs(seed: int = 0):
    key = jax.random.key(seed)
    k1, k2, k3, k4 = jax.random.split(key, 4)
    x = jax.random.randint(k1, (B, L), 0, V, dtype=jnp.int32)
    emb = jax.random.normal(k2, (V, H), jnp.float32) * 0.02
    rel_w = jax.random.normal(k3, (NUM_LAYERS, NUM_RELS, H, H), jnp.float32) * (1.0 / np.sqrt(H))
    out_w = jax.random.normal(k4, (H, V), jnp.float32) * (1.0 / np.sqrt(H))
    out_b = jnp.zeros((V,), jnp.float32)
    src, dst, rel = _build_edges()
    return {
        "x": x,
        "emb": emb,
        "rel_w": rel_w,
        "out_w": out_w,
        "out_b": out_b,
        "edge_src": jnp.asarray(src),
        "edge_dst": jnp.asarray(dst),
        "edge_rel": jnp.asarray(rel),
    }


def reference(x, emb, rel_w, out_w, out_b, edge_src, edge_dst, edge_rel):
    # Edge layout is static: first N edges are self-edges (rel 3), rest are chain (rel 1).
    E_self = N
    groups = [
        (3, edge_src[:E_self], edge_dst[:E_self]),
        (1, edge_src[E_self:], edge_dst[E_self:]),
    ]
    # Embedding lookup (emb_adapter is Identity since embdim == hdim; dropout p=0 -> identity)
    h = jnp.take(emb, x.reshape(-1), axis=0)  # [N, H]
    # in-degree for mean aggregation
    deg = jnp.zeros((N,), jnp.float32)
    for _, s, d in groups:
        deg = deg.at[d].add(1.0)
    deg = jnp.maximum(deg, 1.0)
    # RGCN: numlayers RelGraphConv layers, per-relation weights, mean aggr, relu activation
    for layer in range(NUM_LAYERS):
        agg = jnp.zeros((N, H), h.dtype)
        for r, s, d in groups:
            msg = jnp.take(h, s, axis=0) @ rel_w[layer, r]  # gather + per-relation transform
            agg = agg.at[d].add(msg)                        # scatter-add by dst
        h = jax.nn.relu(agg / deg[:, None])
    out = h.reshape(B, L, H)
    lastout = out[:, -1, :]
    pred = lastout @ out_w + out_b
    return pred

if __name__ == "__main__":
    import jax
    _d = setup_inputs()
    print(jax.jit(kernel)(*tuple(_d.values())))

</pallas_src>

<mosaic_0001>
#map = affine_map<(d0, d1) -> (0, 0)>
module attributes {stable_mosaic.version = 14 : i64} {
  func.func @gather_kernel(%arg0: i32, %arg1: i32, %arg2: memref<10000x128xf32, #tpu.memory_space<hbm>>, %arg3: memref<24x16xi32, #tpu.memory_space<hbm>>, %arg4: memref<384x128xf32, #tpu.memory_space<hbm>>) attributes {dimension_semantics = [#tpu.dimension_semantics<core_parallel>, #tpu.dimension_semantics<subcore_parallel>], iteration_bounds = array<i64: 2, 16>, scalar_prefetch = 0 : i64, scratch_operands = 0 : i64, tpu.core_type = #tpu.core_type<sc_vector_subcore>, window_params = [{transform_indices = #map}, {transform_indices = #map}, {transform_indices = #map}]} {
    %mul3A = arith.constant 1 : i32
    %mul3A_0 = arith.muli %arg1, %mul3A : i32
    %add3A = arith.constant 0 : i32
    %add3A_1 = arith.addi %add3A, %mul3A_0 : i32
    %mul3A_2 = arith.constant 16 : i32
    %mul3A_3 = arith.muli %arg0, %mul3A_2 : i32
    %add3A_4 = arith.addi %add3A_1, %mul3A_3 : i32
    %lt3A = arith.constant 24 : i32
    %lt3A_5 = arith.cmpi slt, %add3A_4, %lt3A : i32
    %jit3A = arith.constant 1 : i32
    %jit3A_6 = arith.constant 0 : i32
    %select_n3A = arith.select %lt3A_5, %jit3A, %jit3A_6 : i32
    %lt3A_7 = arith.constant 24 : i32
    %lt3A_8 = arith.cmpi slt, %add3A_4, %lt3A_7 : i32
    %mul3A_9 = arith.muli %add3A_4, %select_n3A : i32
    %mul3A_10 = arith.constant 0 : i32
    %mul3A_11 = arith.muli %add3A_4, %mul3A_10 : i32
    %add3A_12 = arith.constant 24 : i32
    %add3A_13 = arith.addi %mul3A_11, %add3A_12 : i32
    %select_n3A_14 = arith.select %lt3A_8, %mul3A_9, %add3A_13 : i32
    %mul3A_15 = arith.constant 1 : i32
    %mul3A_16 = arith.muli %mul3A_15, %select_n3A : i32
    "tpu.region"() ({
      %run_scoped3A = memref.alloca() : memref<2x1x16xi32, #tpu.memory_space<vmem>>
      %run_scoped3A_17 = tpu.sem_alloc : memref<2x!tpu.dma_semaphore, #tpu.memory_space<semaphore_mem>>
      %run_scoped3A_18 = memref.alloca() : memref<2x16x128xf32, #tpu.memory_space<vmem>>
      %run_scoped3A_19 = tpu.sem_alloc : memref<2x!tpu.dma_semaphore, #tpu.memory_space<semaphore_mem>>
      %gt3A = arith.constant 0 : i32
      %gt3A_20 = arith.cmpi sgt, %mul3A_16, %gt3A : i32
      %convert_element_type3A = arith.extui %gt3A_20 : i1 to i32
      %cond3A = arith.constant 0 : i32
      %cond3A_21 = arith.cmpi ne, %convert_element_type3A, %cond3A : i32
      scf.if %cond3A_21 {
        %mul3A_22 = arith.constant 1 : i32
        %mul3A_23 = arith.muli %mul3A_22, %select_n3A : i32
        %sub3A = arith.constant 1 : i32
        %sub3A_24 = arith.subi %mul3A_23, %sub3A : i32
        %eq3A = arith.constant 0 : i32
        %eq3A_25 = arith.cmpi eq, %sub3A_24, %eq3A : i32
        %add3A_26 = arith.constant 0 : i32
        %add3A_27 = arith.addi %add3A_26, %select_n3A_14 : i32
        %select_n3A_28 = arith.constant true
        %select_n3A_29 = arith.constant 0 : i32
        %select_n3A_30 = arith.constant -1 : i32
        %select_n3A_31 = arith.select %select_n3A_28, %select_n3A_30, %select_n3A_29 : i32
        %eq3A_32 = arith.constant -1 : i32
        %eq3A_33 = arith.cmpi eq, %select_n3A_31, %eq3A_32 : i32
        %sub3A_34 = arith.constant 1 : i32
        %sub3A_35 = arith.subi %select_n3A, %sub3A_34 : i32
        %select_n3A_36 = arith.select %eq3A_33, %sub3A_35, %select_n3A_31 : i32
        %add3A_37 = arith.addi %select_n3A_36, %select_n3A_14 : i32
        %select_n3A_38 = arith.constant true
        %select_n3A_39 = arith.constant 0 : i32
        %select_n3A_40 = arith.constant 1 : i32
        %select_n3A_41 = arith.select %select_n3A_38, %select_n3A_40, %select_n3A_39 : i32
        %eq3A_42 = arith.cmpi eq, %select_n3A_41, %select_n3A : i32
        %select_n3A_43 = arith.constant 0 : i32
        %select_n3A_44 = arith.select %eq3A_42, %select_n3A_43, %select_n3A_41 : i32
        %add3A_45 = arith.addi %select_n3A_44, %select_n3A_14 : i32
        %add3A_46 = arith.constant 1 : i32
        %add3A_47 = arith.addi %select_n3A_44, %add3A_46 : i32
        %select_n3A_48 = arith.constant true
        %select_n3A_49 = arith.select %select_n3A_48, %add3A_47, %select_n3A_44 : i32
        %eq3A_50 = arith.cmpi eq, %select_n3A_49, %select_n3A : i32
        %select_n3A_51 = arith.constant 0 : i32
        %select_n3A_52 = arith.select %eq3A_50, %select_n3A_51, %select_n3A_49 : i32
        %add3A_53 = arith.addi %select_n3A_52, %select_n3A_14 : i32
        "tpu.trace_start"() <{level = 10 : i32, message = "ep_initialize_0"}> : () -> ()
        %rem3A = arith.constant 0 : i32
        %rem3A_54 = arith.constant 2 : i32
        %rem3A_55 = arith.remui %rem3A, %rem3A_54 : i32
        %mul3A_56 = arith.constant 1 : i32
        %mul3A_57 = arith.muli %mul3A_56, %add3A_27 : i32
        %dma_start3A = arith.constant 0 : i32
        %dma_start3A_58 = arith.constant 0 : i32
        %dma_start3A_59 = tpu.memref_slice %run_scoped3A[%rem3A_55, %dma_start3A, %dma_start3A_58] : memref<2x1x16xi32, #tpu.memory_space<vmem>> -> memref<1x1x16xi32, #tpu.memory_space<vmem>>
        %dma_start3A_60 = tpu.memref_squeeze %dma_start3A_59 : memref<1x1x16xi32, #tpu.memory_space<vmem>> -> memref<1x16xi32, #tpu.memory_space<vmem>>
        %dma_start3A_61 = arith.constant 0 : i32
        %dma_start3A_62 = tpu.memref_slice %arg3[%mul3A_57, %dma_start3A_61] : memref<24x16xi32, #tpu.memory_space<hbm>> -> memref<1x16xi32, #tpu.memory_space<hbm>>
        %dma_start3A_63 = tpu.memref_slice %run_scoped3A_17[%rem3A_55] : memref<2x!tpu.dma_semaphore, #tpu.memory_space<semaphore_mem>> -> memref<1x!tpu.dma_semaphore, #tpu.memory_space<semaphore_mem>>
        %dma_start3A_64 = tpu.memref_squeeze %dma_start3A_63 : memref<1x!tpu.dma_semaphore, #tpu.memory_space<semaphore_mem>> -> memref<!tpu.dma_semaphore, #tpu.memory_space<semaphore_mem>>
        %dma_start3A_65 = arith.constant 0 : i32
        %dma_start3A_66 = arith.constant 0 : i32
        %dma_start3A_67 = tpu.memref_slice %run_scoped3A[%rem3A_55, %dma_start3A_65, %dma_start3A_66] : memref<2x1x16xi32, #tpu.memory_space<vmem>> -> memref<1x1x16xi32, #tpu.memory_space<vmem>>
        %dma_start3A_68 = tpu.memref_squeeze %dma_start3A_67 : memref<1x1x16xi32, #tpu.memory_space<vmem>> -> memref<1x16xi32, #tpu.memory_space<vmem>>
        %dma_start3A_69 = arith.constant 0 : i32
        %dma_start3A_70 = tpu.memref_slice %arg3[%mul3A_57, %dma_start3A_69] : memref<24x16xi32, #tpu.memory_space<hbm>> -> memref<1x16xi32, #tpu.memory_space<hbm>>
        tpu.enqueue_dma source(%dma_start3A_70 : memref<1x16xi32, #tpu.memory_space<hbm>>) target(%dma_start3A_68 : memref<1x16xi32, #tpu.memory_space<vmem>>) target_semaphore(%dma_start3A_64 : memref<!tpu.dma_semaphore, #tpu.memory_space<semaphore_mem>>)
        %add3A_71 = arith.constant 0 : i32
        %add3A_72 = arith.constant 1 : i32
        %add3A_73 = arith.addi %add3A_71, %add3A_72 : i32
        %select_n3A_74 = arith.constant true
        %select_n3A_75 = arith.constant 0 : i32
        %select_n3A_76 = arith.select %select_n3A_74, %add3A_73, %select_n3A_75 : i32
        %while3A = arith.constant 0 : i32
        %while3A_77 = arith.constant 0 : i32
        %while3A_78 = arith.constant 0 : i32
        %while3A_79 = arith.constant 0 : i32
        %while3A_80 = arith.constant 0 : i32
        "tpu.trace_stop"() : () -> ()
        %while3A_81 = arith.subi %mul3A_16, %while3A : i32
        %while3A_82 = arith.addi %while3A, %while3A_81 : i32
        %while3A_83 = arith.constant 1 : i32
        %while3A_84 = arith.divsi %while3A_81, %while3A_83 : i32
        %while3A_85 = arith.muli %while3A_84, %while3A_83 : i32
        %while3A_86 = arith.addi %while3A, %while3A_85 : i32
        %while3A_87 = arith.constant 1 : i32
        %while3A_88:5 = scf.for %while3A_142 = %while3A to %while3A_86 step %while3A_87 iter_args(%while3A_143 = %select_n3A_76, %while3A_144 = %while3A_77, %while3A_145 = %while3A_78, %while3A_146 = %while3A_79, %while3A_147 = %while3A_80) -> (i32, i32, i32, i32, i32)  : i32 {
          %mul3A_148 = arith.constant 1 : i32
          %mul3A_149 = arith.muli %mul3A_148, %select_n3A : i32
          %eq3A_150 = arith.constant 0 : i32
          %eq3A_151 = arith.cmpi eq, %while3A_142, %eq3A_150 : i32
          %sub3A_152 = arith.constant 1 : i32
          %sub3A_153 = arith.subi %mul3A_149, %sub3A_152 : i32
          %eq3A_154 = arith.cmpi eq, %while3A_142, %sub3A_153 : i32
          %add3A_155 = arith.addi %while3A_147, %select_n3A_14 : i32
          %sub3A_156 = arith.constant 1 : i32
          %sub3A_157 = arith.subi %while3A_147, %sub3A_156 : i32
          %select_n3A_158 = arith.constant true
          %select_n3A_159 = arith.select %select_n3A_158, %sub3A_157, %while3A_147 : i32
          %eq3A_160 = arith.constant -1 : i32
          %eq3A_161 = arith.cmpi eq, %select_n3A_159, %eq3A_160 : i32
          %sub3A_162 = arith.constant 1 : i32
          %sub3A_163 = arith.subi %select_n3A, %sub3A_162 : i32
          %select_n3A_164 = arith.select %eq3A_161, %sub3A_163, %select_n3A_159 : i32
          %add3A_165 = arith.addi %select_n3A_164, %select_n3A_14 : i32
          %add3A_166 = arith.constant 1 : i32
          %add3A_167 = arith.addi %while3A_147, %add3A_166 : i32
          %select_n3A_168 = arith.constant true
          %select_n3A_169 = arith.select %select_n3A_168, %add3A_167, %while3A_147 : i32
          %eq3A_170 = arith.cmpi eq, %select_n3A_169, %select_n3A : i32
          %select_n3A_171 = arith.constant 0 : i32
          %select_n3A_172 = arith.select %eq3A_170, %select_n3A_171, %select_n3A_169 : i32
          %add3A_173 = arith.addi %select_n3A_172, %select_n3A_14 : i32
          %add3A_174 = arith.constant 1 : i32
          %add3A_175 = arith.addi %select_n3A_172, %add3A_174 : i32
          %select_n3A_176 = arith.constant true
          %select_n3A_177 = arith.select %select_n3A_176, %add3A_175, %select_n3A_172 : i32
          %eq3A_178 = arith.cmpi eq, %select_n3A_177, %select_n3A : i32
          %select_n3A_179 = arith.constant 0 : i32
          %select_n3A_180 = arith.select %eq3A_178, %select_n3A_179, %select_n3A_177 : i32
          %add3A_181 = arith.addi %select_n3A_180, %select_n3A_14 : i32
          %ne3A = arith.cmpi ne, %add3A_155, %add3A_173 : i32
          %or3A = arith.constant false
          %or3A_182 = arith.ori %or3A, %ne3A : i1
          %or3A_183 = arith.constant false
          %or3A_184 = arith.ori %or3A_182, %or3A_183 : i1
          %sub3A_185 = arith.constant 2 : i32
          %sub3A_186 = arith.subi %mul3A_149, %sub3A_185 : i32
          %add3A_187 = arith.constant 1 : i32
          %add3A_188 = arith.addi %sub3A_186, %add3A_187 : i32
          %ge3A = arith.cmpi sge, %while3A_142, %add3A_188 : i32
          %not3A = arith.constant true
          %not3A_189 = arith.xori %ge3A, %not3A : i1
          %and3A = arith.andi %or3A_184, %not3A_189 : i1
          %convert_element_type3A_190 = arith.extui %and3A : i1 to i32
          %cond3A_191 = arith.constant 0 : i32
          %cond3A_192 = arith.cmpi ne, %convert_element_type3A_190, %cond3A_191 : i32
          scf.if %cond3A_192 {
            "tpu.trace_start"() <{level = 10 : i32, message = "ep_copy_in"}> : () -> ()
            %rem3A_304 = arith.constant 2 : i32
            %rem3A_305 = arith.remui %while3A_143, %rem3A_304 : i32
            %mul3A_306 = arith.constant 1 : i32
            %mul3A_307 = arith.muli %mul3A_306, %add3A_173 : i32
            %dma_start3A_308 = arith.constant 0 : i32
            %dma_start3A_309 = arith.constant 0 : i32
            %dma_start3A_310 = tpu.memref_slice %run_scoped3A[%rem3A_305, %dma_start3A_308, %dma_start3A_309] : memref<2x1x16xi32, #tpu.memory_space<vmem>> -> memref<1x1x16xi32, #tpu.memory_space<vmem>>
            %dma_start3A_311 = tpu.memref_squeeze %dma_start3A_310 : memref<1x1x16xi32, #tpu.memory_space<vmem>> -> memref<1x16xi32, #tpu.memory_space<vmem>>
            %dma_start3A_312 = arith.constant 0 : i32
            %dma_start3A_313 = tpu.memref_slice %arg3[%mul3A_307, %dma_start3A_312] : memref<24x16xi32, #tpu.memory_space<hbm>> -> memref<1x16xi32, #tpu.memory_space<hbm>>
            %dma_start3A_314 = tpu.memref_slice %run_scoped3A_17[%rem3A_305] : memref<2x!tpu.dma_semaphore, #tpu.memory_space<semaphore_mem>> -> memref<1x!tpu.dma_semaphore, #tpu.memory_space<semaphore_mem>>
            %dma_start3A_315 = tpu.memref_squeeze %dma_start3A_314 : memref<1x!tpu.dma_semaphore, #tpu.memory_space<semaphore_mem>> -> memref<!tpu.dma_semaphore, #tpu.memory_space<semaphore_mem>>
            %dma_start3A_316 = arith.constant 0 : i32
            %dma_start3A_317 = arith.constant 0 : i32
            %dma_start3A_318 = tpu.memref_slice %run_scoped3A[%rem3A_305, %dma_start3A_316, %dma_start3A_317] : memref<2x1x16xi32, #tpu.memory_space<vmem>> -> memref<1x1x16xi32, #tpu.memory_space<vmem>>
            %dma_start3A_319 = tpu.memref_squeeze %dma_start3A_318 : memref<1x1x16xi32, #tpu.memory_space<vmem>> -> memref<1x16xi32, #tpu.memory_space<vmem>>
            %dma_start3A_320 = arith.constant 0 : i32
            %dma_start3A_321 = tpu.memref_slice %arg3[%mul3A_307, %dma_start3A_320] : memref<24x16xi32, #tpu.memory_space<hbm>> -> memref<1x16xi32, #tpu.memory_space<hbm>>
            tpu.enqueue_dma source(%dma_start3A_321 : memref<1x16xi32, #tpu.memory_space<hbm>>) target(%dma_start3A_319 : memref<1x16xi32, #tpu.memory_space<vmem>>) target_semaphore(%dma_start3A_315 : memref<!tpu.dma_semaphore, #tpu.memory_space<semaphore_mem>>)
            "tpu.trace_stop"() : () -> ()
          } else {
          }
          %and3A_193 = arith.constant true
          %and3A_194 = arith.andi %and3A, %and3A_193 : i1
          %add3A_195 = arith.constant 1 : i32
          %add3A_196 = arith.addi %while3A_143, %add3A_195 : i32
          %select_n3A_197 = arith.select %and3A_194, %add3A_196, %while3A_143 : i32
          %ne3A_198 = arith.cmpi ne, %add3A_155, %add3A_173 : i32
          %or3A_199 = arith.constant false
          %or3A_200 = arith.ori %or3A_199, %ne3A_198 : i1
          %or3A_201 = arith.constant false
          %or3A_202 = arith.ori %or3A_200, %or3A_201 : i1
          %sub3A_203 = arith.constant 2 : i32
          %sub3A_204 = arith.subi %mul3A_149, %sub3A_203 : i32
          %add3A_205 = arith.constant 1 : i32
          %add3A_206 = arith.addi %sub3A_204, %add3A_205 : i32
          %ge3A_207 = arith.cmpi sge, %while3A_142, %add3A_206 : i32
          %not3A_208 = arith.constant true
          %not3A_209 = arith.xori %ge3A_207, %not3A_208 : i1
          %and3A_210 = arith.andi %or3A_202, %not3A_209 : i1
          %ne3A_211 = arith.cmpi ne, %add3A_155, %add3A_165 : i32
          %or3A_212 = arith.constant false
          %or3A_213 = arith.ori %or3A_212, %ne3A_211 : i1
          %or3A_214 = arith.constant false
          %or3A_215 = arith.ori %or3A_213, %or3A_214 : i1
          %or3A_216 = arith.ori %or3A_215, %eq3A_151 : i1
          %convert_element_type3A_217 = arith.extui %or3A_216 : i1 to i32
          %cond3A_218 = arith.constant 0 : i32
          %cond3A_219 = arith.cmpi ne, %convert_element_type3A_217, %cond3A_218 : i32
          scf.if %cond3A_219 {
            "tpu.trace_start"() <{level = 10 : i32, message = "ep_wait_in"}> : () -> ()
            %mul3A_304 = arith.constant 1 : i32
            %mul3A_305 = arith.muli %mul3A_304, %add3A_155 : i32
            %rem3A_306 = arith.constant 2 : i32
            %rem3A_307 = arith.remui %while3A_144, %rem3A_306 : i32
            %dma_wait3A = arith.constant 0 : i32
            %dma_wait3A_308 = arith.constant 0 : i32
            %dma_wait3A_309 = tpu.memref_slice %run_scoped3A[%rem3A_307, %dma_wait3A, %dma_wait3A_308] : memref<2x1x16xi32, #tpu.memory_space<vmem>> -> memref<1x1x16xi32, #tpu.memory_space<vmem>>
            %dma_wait3A_310 = tpu.memref_squeeze %dma_wait3A_309 : memref<1x1x16xi32, #tpu.memory_space<vmem>> -> memref<1x16xi32, #tpu.memory_space<vmem>>
            %dma_wait3A_311 = arith.constant 0 : i32
            %dma_wait3A_312 = tpu.memref_slice %arg3[%mul3A_305, %dma_wait3A_311] : memref<24x16xi32, #tpu.memory_space<hbm>> -> memref<1x16xi32, #tpu.memory_space<hbm>>
            %dma_wait3A_313 = tpu.memref_slice %run_scoped3A_17[%rem3A_307] : memref<2x!tpu.dma_semaphore, #tpu.memory_space<semaphore_mem>> -> memref<1x!tpu.dma_semaphore, #tpu.memory_space<semaphore_mem>>
            %dma_wait3A_314 = tpu.memref_squeeze %dma_wait3A_313 : memref<1x!tpu.dma_semaphore, #tpu.memory_space<semaphore_mem>> -> memref<!tpu.dma_semaphore, #tpu.memory_space<semaphore_mem>>
            %dma_wait3A_315 = arith.constant 0 : i32
            %dma_wait3A_316 = arith.constant 0 : i32
            %dma_wait3A_317 = tpu.memref_slice %run_scoped3A[%rem3A_307, %dma_wait3A_315, %dma_wait3A_316] : memref<2x1x16xi32, #tpu.memory_space<vmem>> -> memref<1x1x16xi32, #tpu.memory_space<vmem>>
            %dma_wait3A_318 = tpu.memref_squeeze %dma_wait3A_317 : memref<1x1x16xi32, #tpu.memory_space<vmem>> -> memref<1x16xi32, #tpu.memory_space<vmem>>
            %dma_wait3A_319 = arith.constant 0 : i32
            %dma_wait3A_320 = tpu.memref_slice %arg3[%mul3A_305, %dma_wait3A_319] : memref<24x16xi32, #tpu.memory_space<hbm>> -> memref<1x16xi32, #tpu.memory_space<hbm>>
            tpu.wait_dma2 semaphore(%dma_wait3A_314 : memref<!tpu.dma_semaphore, #tpu.memory_space<semaphore_mem>>) src(%dma_wait3A_320 : memref<1x16xi32, #tpu.memory_space<hbm>>) dst(%dma_wait3A_318 : memref<1x16xi32, #tpu.memory_space<vmem>>)
            "tpu.trace_stop"() : () -> ()
          } else {
          }
          %ne3A_220 = arith.cmpi ne, %add3A_155, %add3A_165 : i32
          %or3A_221 = arith.constant false
          %or3A_222 = arith.ori %or3A_221, %ne3A_220 : i1
          %or3A_223 = arith.constant false
          %or3A_224 = arith.ori %or3A_222, %or3A_223 : i1
          %or3A_225 = arith.ori %or3A_224, %eq3A_151 : i1
          %convert_element_type3A_226 = arith.extui %or3A_225 : i1 to i32
          %cond3A_227 = arith.constant 0 : i32
          %cond3A_228 = arith.cmpi ne, %convert_element_type3A_226, %cond3A_227 : i32
          scf.if %cond3A_228 {
          } else {
          }
          %rem3A_229 = arith.constant 2 : i32
          %rem3A_230 = arith.remui %while3A_144, %rem3A_229 : i32
          %rem3A_231 = arith.constant 2 : i32
          %rem3A_232 = arith.remui %while3A_145, %rem3A_231 : i32
          %run_scoped3A_233 = arith.constant 0 : i32
          "tpu.trace_start"() <{level = 10 : i32, message = "ep_run_kernel"}> : () -> ()
          "tpu.region"() ({
            %run_scoped3A_304 = tpu.sem_alloc : memref<!tpu.dma_semaphore, #tpu.memory_space<semaphore_mem>>
            %dma_start3A_305 = arith.constant 0 : i32
            %dma_start3A_306 = arith.constant 0 : i32
            %dma_start3A_307 = tpu.memref_slice %run_scoped3A_18[%rem3A_232, %dma_start3A_305, %dma_start3A_306] : memref<2x16x128xf32, #tpu.memory_space<vmem>> -> memref<1x16x128xf32, #tpu.memory_space<vmem>>
            %dma_start3A_308 = tpu.memref_squeeze %dma_start3A_307 : memref<1x16x128xf32, #tpu.memory_space<vmem>> -> memref<16x128xf32, #tpu.memory_space<vmem>>
            %dma_start3A_309 = arith.constant 0 : i32
            %dma_start3A_310 = arith.constant 0 : i32
            %dma_start3A_311 = tpu.memref_slice %run_scoped3A[%rem3A_230, %dma_start3A_309, %dma_start3A_310] : memref<2x1x16xi32, #tpu.memory_space<vmem>> -> memref<1x1x16xi32, #tpu.memory_space<vmem>>
            %dma_start3A_312 = tpu.memref_squeeze %dma_start3A_311 : memref<1x1x16xi32, #tpu.memory_space<vmem>> -> memref<1x16xi32, #tpu.memory_space<vmem>>
            %dma_start3A_313 = arith.constant 0 : i32
            %dma_start3A_314 = tpu.memref_slice %dma_start3A_312[%run_scoped3A_233, %dma_start3A_313] : memref<1x16xi32, #tpu.memory_space<vmem>> -> memref<1x16xi32, #tpu.memory_space<vmem>>
            %dma_start3A_315 = tpu.memref_squeeze %dma_start3A_314 : memref<1x16xi32, #tpu.memory_space<vmem>> -> memref<16xi32, #tpu.memory_space<vmem>>
            %dma_start3A_316 = arith.constant 0 : i32
            %dma_start3A_317 = arith.constant 0 : i32
            %dma_start3A_318 = tpu.memref_slice %arg2[%dma_start3A_316, %dma_start3A_317] : memref<10000x128xf32, #tpu.memory_space<hbm>> -> memref<10000x128xf32, #tpu.memory_space<hbm>>
            tpu.enqueue_indirect_dma source(%dma_start3A_318 : memref<10000x128xf32, #tpu.memory_space<hbm>>) target(%dma_start3A_308 : memref<16x128xf32, #tpu.memory_space<vmem>>) offsets(%dma_start3A_315 : memref<16xi32, #tpu.memory_space<vmem>>) semaphore(%run_scoped3A_304 : memref<!tpu.dma_semaphore, #tpu.memory_space<semaphore_mem>>)
            %dma_wait3A = arith.constant 0 : i32
            %dma_wait3A_319 = arith.constant 0 : i32
            %dma_wait3A_320 = tpu.memref_slice %run_scoped3A_18[%rem3A_232, %dma_wait3A, %dma_wait3A_319] : memref<2x16x128xf32, #tpu.memory_space<vmem>> -> memref<1x16x128xf32, #tpu.memory_space<vmem>>
            %dma_wait3A_321 = tpu.memref_squeeze %dma_wait3A_320 : memref<1x16x128xf32, #tpu.memory_space<vmem>> -> memref<16x128xf32, #tpu.memory_space<vmem>>
            %dma_wait3A_322 = arith.constant 0 : i32
            %dma_wait3A_323 = arith.constant 0 : i32
            %dma_wait3A_324 = tpu.memref_slice %run_scoped3A[%rem3A_230, %dma_wait3A_322, %dma_wait3A_323] : memref<2x1x16xi32, #tpu.memory_space<vmem>> -> memref<1x1x16xi32, #tpu.memory_space<vmem>>
            %dma_wait3A_325 = tpu.memref_squeeze %dma_wait3A_324 : memref<1x1x16xi32, #tpu.memory_space<vmem>> -> memref<1x16xi32, #tpu.memory_space<vmem>>
            %dma_wait3A_326 = arith.constant 0 : i32
            %dma_wait3A_327 = tpu.memref_slice %dma_wait3A_325[%run_scoped3A_233, %dma_wait3A_326] : memref<1x16xi32, #tpu.memory_space<vmem>> -> memref<1x16xi32, #tpu.memory_space<vmem>>
            %dma_wait3A_328 = tpu.memref_squeeze %dma_wait3A_327 : memref<1x16xi32, #tpu.memory_space<vmem>> -> memref<16xi32, #tpu.memory_space<vmem>>
            %dma_wait3A_329 = arith.constant 0 : i32
            %dma_wait3A_330 = arith.constant 0 : i32
            %dma_wait3A_331 = tpu.memref_slice %arg2[%dma_wait3A_329, %dma_wait3A_330] : memref<10000x128xf32, #tpu.memory_space<hbm>> -> memref<10000x128xf32, #tpu.memory_space<hbm>>
            tpu.wait_indirect_dma semaphore(%run_scoped3A_304 : memref<!tpu.dma_semaphore, #tpu.memory_space<semaphore_mem>>) src(%dma_wait3A_331 : memref<10000x128xf32, #tpu.memory_space<hbm>>) dst(%dma_wait3A_321 : memref<16x128xf32, #tpu.memory_space<vmem>>)
            tpu.yield
          }) : () -> ()
          "tpu.trace_stop"() : () -> ()
          %ne3A_234 = arith.cmpi ne, %add3A_155, %add3A_173 : i32
          %or3A_235 = arith.constant false
          %or3A_236 = arith.ori %or3A_235, %ne3A_234 : i1
          %or3A_237 = arith.constant false
          %or3A_238 = arith.ori %or3A_236, %or3A_237 : i1
          %or3A_239 = arith.ori %or3A_238, %eq3A_154 : i1
          %convert_element_type3A_240 = arith.extui %or3A_239 : i1 to i32
          %cond3A_241 = arith.constant 0 : i32
          %cond3A_242 = arith.cmpi ne, %convert_element_type3A_240, %cond3A_241 : i32
          scf.if %cond3A_242 {
          } else {
          }
          %and3A_243 = arith.constant false
          %and3A_244 = arith.andi %or3A_239, %and3A_243 : i1
          %ne3A_245 = arith.cmpi ne, %add3A_155, %add3A_173 : i32
          %or3A_246 = arith.constant false
          %or3A_247 = arith.ori %or3A_246, %ne3A_245 : i1
          %or3A_248 = arith.constant false
          %or3A_249 = arith.ori %or3A_247, %or3A_248 : i1
          %or3A_250 = arith.ori %or3A_249, %eq3A_154 : i1
          %convert_element_type3A_251 = arith.extui %or3A_250 : i1 to i32
          %cond3A_252 = arith.constant 0 : i32
          %cond3A_253 = arith.cmpi ne, %convert_element_type3A_251, %cond3A_252 : i32
          scf.if %cond3A_253 {
            "tpu.trace_start"() <{level = 10 : i32, message = "ep_copy_out"}> : () -> ()
            %rem3A_304 = arith.constant 2 : i32
            %rem3A_305 = arith.remui %while3A_145, %rem3A_304 : i32
            %mul3A_306 = arith.constant 16 : i32
            %mul3A_307 = arith.muli %mul3A_306, %add3A_155 : i32
            %dma_start3A_308 = arith.constant 0 : i32
            %dma_start3A_309 = arith.constant 0 : i32
            %dma_start3A_310 = tpu.memref_slice %run_scoped3A_18[%rem3A_305, %dma_start3A_308, %dma_start3A_309] : memref<2x16x128xf32, #tpu.memory_space<vmem>> -> memref<1x16x128xf32, #tpu.memory_space<vmem>>
            %dma_start3A_311 = tpu.memref_squeeze %dma_start3A_310 : memref<1x16x128xf32, #tpu.memory_space<vmem>> -> memref<16x128xf32, #tpu.memory_space<vmem>>
            %dma_start3A_312 = arith.constant 0 : i32
            %dma_start3A_313 = tpu.memref_slice %arg4[%mul3A_307, %dma_start3A_312] : memref<384x128xf32, #tpu.memory_space<hbm>> -> memref<16x128xf32, #tpu.memory_space<hbm>>
            %dma_start3A_314 = tpu.memref_slice %run_scoped3A_19[%rem3A_305] : memref<2x!tpu.dma_semaphore, #tpu.memory_space<semaphore_mem>> -> memref<1x!tpu.dma_semaphore, #tpu.memory_space<semaphore_mem>>
            %dma_start3A_315 = tpu.memref_squeeze %dma_start3A_314 : memref<1x!tpu.dma_semaphore, #tpu.memory_space<semaphore_mem>> -> memref<!tpu.dma_semaphore, #tpu.memory_space<semaphore_mem>>
            %dma_start3A_316 = arith.constant 0 : i32
            %dma_start3A_317 = tpu.memref_slice %arg4[%mul3A_307, %dma_start3A_316] : memref<384x128xf32, #tpu.memory_space<hbm>> -> memref<16x128xf32, #tpu.memory_space<hbm>>
            %dma_start3A_318 = arith.constant 0 : i32
            %dma_start3A_319 = arith.constant 0 : i32
            %dma_start3A_320 = tpu.memref_slice %run_scoped3A_18[%rem3A_305, %dma_start3A_318, %dma_start3A_319] : memref<2x16x128xf32, #tpu.memory_space<vmem>> -> memref<1x16x128xf32, #tpu.memory_space<vmem>>
            %dma_start3A_321 = tpu.memref_squeeze %dma_start3A_320 : memref<1x16x128xf32, #tpu.memory_space<vmem>> -> memref<16x128xf32, #tpu.memory_space<vmem>>
            tpu.enqueue_dma source(%dma_start3A_321 : memref<16x128xf32, #tpu.memory_space<vmem>>) target(%dma_start3A_317 : memref<16x128xf32, #tpu.memory_space<hbm>>) target_semaphore(%dma_start3A_315 : memref<!tpu.dma_semaphore, #tpu.memory_space<semaphore_mem>>)
            "tpu.trace_stop"() : () -> ()
          } else {
          }
          %and3A_254 = arith.constant true
          %and3A_255 = arith.andi %or3A_250, %and3A_254 : i1
          %add3A_256 = arith.constant 1 : i32
          %add3A_257 = arith.addi %while3A_145, %add3A_256 : i32
          %select_n3A_258 = arith.select %and3A_255, %add3A_257, %while3A_145 : i32
          %ne3A_259 = arith.cmpi ne, %add3A_155, %add3A_165 : i32
          %or3A_260 = arith.constant false
          %or3A_261 = arith.ori %or3A_260, %ne3A_259 : i1
          %or3A_262 = arith.constant false
          %or3A_263 = arith.ori %or3A_261, %or3A_262 : i1
          %not3A_264 = arith.constant true
          %not3A_265 = arith.xori %eq3A_151, %not3A_264 : i1
          %and3A_266 = arith.andi %or3A_263, %not3A_265 : i1
          %convert_element_type3A_267 = arith.extui %and3A_266 : i1 to i32
          %cond3A_268 = arith.constant 0 : i32
          %cond3A_269 = arith.cmpi ne, %convert_element_type3A_267, %cond3A_268 : i32
          scf.if %cond3A_269 {
          } else {
          }
          %and3A_270 = arith.constant false
          %and3A_271 = arith.andi %and3A_266, %and3A_270 : i1
          %ne3A_272 = arith.cmpi ne, %add3A_155, %add3A_165 : i32
          %or3A_273 = arith.constant false
          %or3A_274 = arith.ori %or3A_273, %ne3A_272 : i1
          %or3A_275 = arith.constant false
          %or3A_276 = arith.ori %or3A_274, %or3A_275 : i1
          %not3A_277 = arith.constant true
          %not3A_278 = arith.xori %eq3A_151, %not3A_277 : i1
          %and3A_279 = arith.andi %or3A_276, %not3A_278 : i1
          %convert_element_type3A_280 = arith.extui %and3A_279 : i1 to i32
          %cond3A_281 = arith.constant 0 : i32
          %cond3A_282 = arith.cmpi ne, %convert_element_type3A_280, %cond3A_281 : i32
          scf.if %cond3A_282 {
            "tpu.trace_start"() <{level = 10 : i32, message = "ep_wait_out"}> : () -> ()
            %rem3A_304 = arith.constant 2 : i32
            %rem3A_305 = arith.remui %while3A_146, %rem3A_304 : i32
            %mul3A_306 = arith.constant 16 : i32
            %mul3A_307 = arith.muli %mul3A_306, %add3A_165 : i32
            %dma_wait3A = arith.constant 0 : i32
            %dma_wait3A_308 = arith.constant 0 : i32
            %dma_wait3A_309 = tpu.memref_slice %run_scoped3A_18[%rem3A_305, %dma_wait3A, %dma_wait3A_308] : memref<2x16x128xf32, #tpu.memory_space<vmem>> -> memref<1x16x128xf32, #tpu.memory_space<vmem>>
            %dma_wait3A_310 = tpu.memref_squeeze %dma_wait3A_309 : memref<1x16x128xf32, #tpu.memory_space<vmem>> -> memref<16x128xf32, #tpu.memory_space<vmem>>
            %dma_wait3A_311 = arith.constant 0 : i32
            %dma_wait3A_312 = tpu.memref_slice %arg4[%mul3A_307, %dma_wait3A_311] : memref<384x128xf32, #tpu.memory_space<hbm>> -> memref<16x128xf32, #tpu.memory_space<hbm>>
            %dma_wait3A_313 = tpu.memref_slice %run_scoped3A_19[%rem3A_305] : memref<2x!tpu.dma_semaphore, #tpu.memory_space<semaphore_mem>> -> memref<1x!tpu.dma_semaphore, #tpu.memory_space<semaphore_mem>>
            %dma_wait3A_314 = tpu.memref_squeeze %dma_wait3A_313 : memref<1x!tpu.dma_semaphore, #tpu.memory_space<semaphore_mem>> -> memref<!tpu.dma_semaphore, #tpu.memory_space<semaphore_mem>>
            %dma_wait3A_315 = arith.constant 0 : i32
            %dma_wait3A_316 = tpu.memref_slice %arg4[%mul3A_307, %dma_wait3A_315] : memref<384x128xf32, #tpu.memory_space<hbm>> -> memref<16x128xf32, #tpu.memory_space<hbm>>
            %dma_wait3A_317 = arith.constant 0 : i32
            %dma_wait3A_318 = arith.constant 0 : i32
            %dma_wait3A_319 = tpu.memref_slice %run_scoped3A_18[%rem3A_305, %dma_wait3A_317, %dma_wait3A_318] : memref<2x16x128xf32, #tpu.memory_space<vmem>> -> memref<1x16x128xf32, #tpu.memory_space<vmem>>
            %dma_wait3A_320 = tpu.memref_squeeze %dma_wait3A_319 : memref<1x16x128xf32, #tpu.memory_space<vmem>> -> memref<16x128xf32, #tpu.memory_space<vmem>>
            tpu.wait_dma2 semaphore(%dma_wait3A_314 : memref<!tpu.dma_semaphore, #tpu.memory_space<semaphore_mem>>) src(%dma_wait3A_320 : memref<16x128xf32, #tpu.memory_space<vmem>>) dst(%dma_wait3A_316 : memref<16x128xf32, #tpu.memory_space<hbm>>)
            "tpu.trace_stop"() : () -> ()
          } else {
          }
          %and3A_283 = arith.constant true
          %and3A_284 = arith.andi %and3A_279, %and3A_283 : i1
          %add3A_285 = arith.constant 1 : i32
          %add3A_286 = arith.addi %while3A_146, %add3A_285 : i32
          %select_n3A_287 = arith.select %and3A_284, %add3A_286, %while3A_146 : i32
          %ne3A_288 = arith.cmpi ne, %add3A_155, %add3A_173 : i32
          %or3A_289 = arith.constant false
          %or3A_290 = arith.ori %or3A_289, %ne3A_288 : i1
          %or3A_291 = arith.constant false
          %or3A_292 = arith.ori %or3A_290, %or3A_291 : i1
          %or3A_293 = arith.ori %or3A_292, %eq3A_154 : i1
          %add3A_294 = arith.constant 1 : i32
          %add3A_295 = arith.addi %while3A_144, %add3A_294 : i32
          %select_n3A_296 = arith.select %or3A_293, %add3A_295, %while3A_144 : i32
          %add3A_297 = arith.constant 1 : i32
          %add3A_298 = arith.addi %while3A_147, %add3A_297 : i32
          %select_n3A_299 = arith.constant true
          %select_n3A_300 = arith.select %select_n3A_299, %add3A_298, %while3A_147 : i32
          %eq3A_301 = arith.cmpi eq, %select_n3A_300, %select_n3A : i32
          %select_n3A_302 = arith.constant 0 : i32
          %select_n3A_303 = arith.select %eq3A_301, %select_n3A_302, %select_n3A_300 : i32
          scf.yield %select_n3A_197, %select_n3A_296, %select_n3A_258, %select_n3A_287, %select_n3A_303 : i32, i32, i32, i32, i32
        }
        %while3A_89 = arith.constant 1 : i32
        %while3A_90:5 = scf.for %while3A_142 = %while3A_86 to %while3A_82 step %while3A_89 iter_args(%while3A_143 = %while3A_88#0, %while3A_144 = %while3A_88#1, %while3A_145 = %while3A_88#2, %while3A_146 = %while3A_88#3, %while3A_147 = %while3A_88#4) -> (i32, i32, i32, i32, i32)  : i32 {
          %mul3A_148 = arith.constant 1 : i32
          %mul3A_149 = arith.muli %mul3A_148, %select_n3A : i32
          %eq3A_150 = arith.constant 0 : i32
          %eq3A_151 = arith.cmpi eq, %while3A_142, %eq3A_150 : i32
          %sub3A_152 = arith.constant 1 : i32
          %sub3A_153 = arith.subi %mul3A_149, %sub3A_152 : i32
          %eq3A_154 = arith.cmpi eq, %while3A_142, %sub3A_153 : i32
          %add3A_155 = arith.addi %while3A_147, %select_n3A_14 : i32
          %sub3A_156 = arith.constant 1 : i32
          %sub3A_157 = arith.subi %while3A_147, %sub3A_156 : i32
          %select_n3A_158 = arith.constant true
          %select_n3A_159 = arith.select %select_n3A_158, %sub3A_157, %while3A_147 : i32
          %eq3A_160 = arith.constant -1 : i32
          %eq3A_161 = arith.cmpi eq, %select_n3A_159, %eq3A_160 : i32
          %sub3A_162 = arith.constant 1 : i32
          %sub3A_163 = arith.subi %select_n3A, %sub3A_162 : i32
          %select_n3A_164 = arith.select %eq3A_161, %sub3A_163, %select_n3A_159 : i32
          %add3A_165 = arith.addi %select_n3A_164, %select_n3A_14 : i32
          %add3A_166 = arith.constant 1 : i32
          %add3A_167 = arith.addi %while3A_147, %add3A_166 : i32
          %select_n3A_168 = arith.constant true
          %select_n3A_169 = arith.select %select_n3A_168, %add3A_167, %while3A_147 : i32
          %eq3A_170 = arith.cmpi eq, %select_n3A_169, %select_n3A : i32
          %select_n3A_171 = arith.constant 0 : i32
          %select_n3A_172 = arith.select %eq3A_170, %select_n3A_171, %select_n3A_169 : i32
          %add3A_173 = arith.addi %select_n3A_172, %select_n3A_14 : i32
          %add3A_174 = arith.constant 1 : i32
          %add3A_175 = arith.addi %select_n3A_172, %add3A_174 : i32
          %select_n3A_176 = arith.constant true
          %select_n3A_177 = arith.select %select_n3A_176, %add3A_175, %select_n3A_172 : i32
          %eq3A_178 = arith.cmpi eq, %select_n3A_177, %select_n3A : i32
          %select_n3A_179 = arith.constant 0 : i32
          %select_n3A_180 = arith.select %eq3A_178, %select_n3A_179, %select_n3A_177 : i32
          %add3A_181 = arith.addi %select_n3A_180, %select_n3A_14 : i32
          %ne3A = arith.cmpi ne, %add3A_155, %add3A_173 : i32
          %or3A = arith.constant false
          %or3A_182 = arith.ori %or3A, %ne3A : i1
          %or3A_183 = arith.constant false
          %or3A_184 = arith.ori %or3A_182, %or3A_183 : i1
          %sub3A_185 = arith.constant 2 : i32
          %sub3A_186 = arith.subi %mul3A_149, %sub3A_185 : i32
          %add3A_187 = arith.constant 1 : i32
          %add3A_188 = arith.addi %sub3A_186, %add3A_187 : i32
          %ge3A = arith.cmpi sge, %while3A_142, %add3A_188 : i32
          %not3A = arith.constant true
          %not3A_189 = arith.xori %ge3A, %not3A : i1
          %and3A = arith.andi %or3A_184, %not3A_189 : i1
          %convert_element_type3A_190 = arith.extui %and3A : i1 to i32
          %cond3A_191 = arith.constant 0 : i32
          %cond3A_192 = arith.cmpi ne, %convert_element_type3A_190, %cond3A_191 : i32
          scf.if %cond3A_192 {
            "tpu.trace_start"() <{level = 10 : i32, message = "ep_copy_in"}> : () -> ()
            %rem3A_304 = arith.constant 2 : i32
            %rem3A_305 = arith.remui %while3A_143, %rem3A_304 : i32
            %mul3A_306 = arith.constant 1 : i32
            %mul3A_307 = arith.muli %mul3A_306, %add3A_173 : i32
            %dma_start3A_308 = arith.constant 0 : i32
            %dma_start3A_309 = arith.constant 0 : i32
            %dma_start3A_310 = tpu.memref_slice %run_scoped3A[%rem3A_305, %dma_start3A_308, %dma_start3A_309] : memref<2x1x16xi32, #tpu.memory_space<vmem>> -> memref<1x1x16xi32, #tpu.memory_space<vmem>>
            %dma_start3A_311 = tpu.memref_squeeze %dma_start3A_310 : memref<1x1x16xi32, #tpu.memory_space<vmem>> -> memref<1x16xi32, #tpu.memory_space<vmem>>
            %dma_start3A_312 = arith.constant 0 : i32
            %dma_start3A_313 = tpu.memref_slice %arg3[%mul3A_307, %dma_start3A_312] : memref<24x16xi32, #tpu.memory_space<hbm>> -> memref<1x16xi32, #tpu.memory_space<hbm>>
            %dma_start3A_314 = tpu.memref_slice %run_scoped3A_17[%rem3A_305] : memref<2x!tpu.dma_semaphore, #tpu.memory_space<semaphore_mem>> -> memref<1x!tpu.dma_semaphore, #tpu.memory_space<semaphore_mem>>
            %dma_start3A_315 = tpu.memref_squeeze %dma_start3A_314 : memref<1x!tpu.dma_semaphore, #tpu.memory_space<semaphore_mem>> -> memref<!tpu.dma_semaphore, #tpu.memory_space<semaphore_mem>>
            %dma_start3A_316 = arith.constant 0 : i32
            %dma_start3A_317 = arith.constant 0 : i32
            %dma_start3A_318 = tpu.memref_slice %run_scoped3A[%rem3A_305, %dma_start3A_316, %dma_start3A_317] : memref<2x1x16xi32, #tpu.memory_space<vmem>> -> memref<1x1x16xi32, #tpu.memory_space<vmem>>
            %dma_start3A_319 = tpu.memref_squeeze %dma_start3A_318 : memref<1x1x16xi32, #tpu.memory_space<vmem>> -> memref<1x16xi32, #tpu.memory_space<vmem>>
            %dma_start3A_320 = arith.constant 0 : i32
            %dma_start3A_321 = tpu.memref_slice %arg3[%mul3A_307, %dma_start3A_320] : memref<24x16xi32, #tpu.memory_space<hbm>> -> memref<1x16xi32, #tpu.memory_space<hbm>>
            tpu.enqueue_dma source(%dma_start3A_321 : memref<1x16xi32, #tpu.memory_space<hbm>>) target(%dma_start3A_319 : memref<1x16xi32, #tpu.memory_space<vmem>>) target_semaphore(%dma_start3A_315 : memref<!tpu.dma_semaphore, #tpu.memory_space<semaphore_mem>>)
            "tpu.trace_stop"() : () -> ()
          } else {
          }
          %and3A_193 = arith.constant true
          %and3A_194 = arith.andi %and3A, %and3A_193 : i1
          %add3A_195 = arith.constant 1 : i32
          %add3A_196 = arith.addi %while3A_143, %add3A_195 : i32
          %select_n3A_197 = arith.select %and3A_194, %add3A_196, %while3A_143 : i32
          %ne3A_198 = arith.cmpi ne, %add3A_155, %add3A_173 : i32
          %or3A_199 = arith.constant false
          %or3A_200 = arith.ori %or3A_199, %ne3A_198 : i1
          %or3A_201 = arith.constant false
          %or3A_202 = arith.ori %or3A_200, %or3A_201 : i1
          %sub3A_203 = arith.constant 2 : i32
          %sub3A_204 = arith.subi %mul3A_149, %sub3A_203 : i32
          %add3A_205 = arith.constant 1 : i32
          %add3A_206 = arith.addi %sub3A_204, %add3A_205 : i32
          %ge3A_207 = arith.cmpi sge, %while3A_142, %add3A_206 : i32
          %not3A_208 = arith.constant true
          %not3A_209 = arith.xori %ge3A_207, %not3A_208 : i1
          %and3A_210 = arith.andi %or3A_202, %not3A_209 : i1
          %ne3A_211 = arith.cmpi ne, %add3A_155, %add3A_165 : i32
          %or3A_212 = arith.constant false
          %or3A_213 = arith.ori %or3A_212, %ne3A_211 : i1
          %or3A_214 = arith.constant false
          %or3A_215 = arith.ori %or3A_213, %or3A_214 : i1
          %or3A_216 = arith.ori %or3A_215, %eq3A_151 : i1
          %convert_element_type3A_217 = arith.extui %or3A_216 : i1 to i32
          %cond3A_218 = arith.constant 0 : i32
          %cond3A_219 = arith.cmpi ne, %convert_element_type3A_217, %cond3A_218 : i32
          scf.if %cond3A_219 {
            "tpu.trace_start"() <{level = 10 : i32, message = "ep_wait_in"}> : () -> ()
            %mul3A_304 = arith.constant 1 : i32
            %mul3A_305 = arith.muli %mul3A_304, %add3A_155 : i32
            %rem3A_306 = arith.constant 2 : i32
            %rem3A_307 = arith.remui %while3A_144, %rem3A_306 : i32
            %dma_wait3A = arith.constant 0 : i32
            %dma_wait3A_308 = arith.constant 0 : i32
            %dma_wait3A_309 = tpu.memref_slice %run_scoped3A[%rem3A_307, %dma_wait3A, %dma_wait3A_308] : memref<2x1x16xi32, #tpu.memory_space<vmem>> -> memref<1x1x16xi32, #tpu.memory_space<vmem>>
            %dma_wait3A_310 = tpu.memref_squeeze %dma_wait3A_309 : memref<1x1x16xi32, #tpu.memory_space<vmem>> -> memref<1x16xi32, #tpu.memory_space<vmem>>
            %dma_wait3A_311 = arith.constant 0 : i32
            %dma_wait3A_312 = tpu.memref_slice %arg3[%mul3A_305, %dma_wait3A_311] : memref<24x16xi32, #tpu.memory_space<hbm>> -> memref<1x16xi32, #tpu.memory_space<hbm>>
            %dma_wait3A_313 = tpu.memref_slice %run_scoped3A_17[%rem3A_307] : memref<2x!tpu.dma_semaphore, #tpu.memory_space<semaphore_mem>> -> memref<1x!tpu.dma_semaphore, #tpu.memory_space<semaphore_mem>>
            %dma_wait3A_314 = tpu.memref_squeeze %dma_wait3A_313 : memref<1x!tpu.dma_semaphore, #tpu.memory_space<semaphore_mem>> -> memref<!tpu.dma_semaphore, #tpu.memory_space<semaphore_mem>>
            %dma_wait3A_315 = arith.constant 0 : i32
            %dma_wait3A_316 = arith.constant 0 : i32
            %dma_wait3A_317 = tpu.memref_slice %run_scoped3A[%rem3A_307, %dma_wait3A_315, %dma_wait3A_316] : memref<2x1x16xi32, #tpu.memory_space<vmem>> -> memref<1x1x16xi32, #tpu.memory_space<vmem>>
            %dma_wait3A_318 = tpu.memref_squeeze %dma_wait3A_317 : memref<1x1x16xi32, #tpu.memory_space<vmem>> -> memref<1x16xi32, #tpu.memory_space<vmem>>
            %dma_wait3A_319 = arith.constant 0 : i32
            %dma_wait3A_320 = tpu.memref_slice %arg3[%mul3A_305, %dma_wait3A_319] : memref<24x16xi32, #tpu.memory_space<hbm>> -> memref<1x16xi32, #tpu.memory_space<hbm>>
            tpu.wait_dma2 semaphore(%dma_wait3A_314 : memref<!tpu.dma_semaphore, #tpu.memory_space<semaphore_mem>>) src(%dma_wait3A_320 : memref<1x16xi32, #tpu.memory_space<hbm>>) dst(%dma_wait3A_318 : memref<1x16xi32, #tpu.memory_space<vmem>>)
            "tpu.trace_stop"() : () -> ()
          } else {
          }
          %ne3A_220 = arith.cmpi ne, %add3A_155, %add3A_165 : i32
          %or3A_221 = arith.constant false
          %or3A_222 = arith.ori %or3A_221, %ne3A_220 : i1
          %or3A_223 = arith.constant false
          %or3A_224 = arith.ori %or3A_222, %or3A_223 : i1
          %or3A_225 = arith.ori %or3A_224, %eq3A_151 : i1
          %convert_element_type3A_226 = arith.extui %or3A_225 : i1 to i32
          %cond3A_227 = arith.constant 0 : i32
          %cond3A_228 = arith.cmpi ne, %convert_element_type3A_226, %cond3A_227 : i32
          scf.if %cond3A_228 {
          } else {
          }
          %rem3A_229 = arith.constant 2 : i32
          %rem3A_230 = arith.remui %while3A_144, %rem3A_229 : i32
          %rem3A_231 = arith.constant 2 : i32
          %rem3A_232 = arith.remui %while3A_145, %rem3A_231 : i32
          %run_scoped3A_233 = arith.constant 0 : i32
          "tpu.trace_start"() <{level = 10 : i32, message = "ep_run_kernel"}> : () -> ()
          "tpu.region"() ({
            %run_scoped3A_304 = tpu.sem_alloc : memref<!tpu.dma_semaphore, #tpu.memory_space<semaphore_mem>>
            %dma_start3A_305 = arith.constant 0 : i32
            %dma_start3A_306 = arith.constant 0 : i32
            %dma_start3A_307 = tpu.memref_slice %run_scoped3A_18[%rem3A_232, %dma_start3A_305, %dma_start3A_306] : memref<2x16x128xf32, #tpu.memory_space<vmem>> -> memref<1x16x128xf32, #tpu.memory_space<vmem>>
            %dma_start3A_308 = tpu.memref_squeeze %dma_start3A_307 : memref<1x16x128xf32, #tpu.memory_space<vmem>> -> memref<16x128xf32, #tpu.memory_space<vmem>>
            %dma_start3A_309 = arith.constant 0 : i32
            %dma_start3A_310 = arith.constant 0 : i32
            %dma_start3A_311 = tpu.memref_slice %run_scoped3A[%rem3A_230, %dma_start3A_309, %dma_start3A_310] : memref<2x1x16xi32, #tpu.memory_space<vmem>> -> memref<1x1x16xi32, #tpu.memory_space<vmem>>
            %dma_start3A_312 = tpu.memref_squeeze %dma_start3A_311 : memref<1x1x16xi32, #tpu.memory_space<vmem>> -> memref<1x16xi32, #tpu.memory_space<vmem>>
            %dma_start3A_313 = arith.constant 0 : i32
            %dma_start3A_314 = tpu.memref_slice %dma_start3A_312[%run_scoped3A_233, %dma_start3A_313] : memref<1x16xi32, #tpu.memory_space<vmem>> -> memref<1x16xi32, #tpu.memory_space<vmem>>
            %dma_start3A_315 = tpu.memref_squeeze %dma_start3A_314 : memref<1x16xi32, #tpu.memory_space<vmem>> -> memref<16xi32, #tpu.memory_space<vmem>>
            %dma_start3A_316 = arith.constant 0 : i32
            %dma_start3A_317 = arith.constant 0 : i32
            %dma_start3A_318 = tpu.memref_slice %arg2[%dma_start3A_316, %dma_start3A_317] : memref<10000x128xf32, #tpu.memory_space<hbm>> -> memref<10000x128xf32, #tpu.memory_space<hbm>>
            tpu.enqueue_indirect_dma source(%dma_start3A_318 : memref<10000x128xf32, #tpu.memory_space<hbm>>) target(%dma_start3A_308 : memref<16x128xf32, #tpu.memory_space<vmem>>) offsets(%dma_start3A_315 : memref<16xi32, #tpu.memory_space<vmem>>) semaphore(%run_scoped3A_304 : memref<!tpu.dma_semaphore, #tpu.memory_space<semaphore_mem>>)
            %dma_wait3A = arith.constant 0 : i32
            %dma_wait3A_319 = arith.constant 0 : i32
            %dma_wait3A_320 = tpu.memref_slice %run_scoped3A_18[%rem3A_232, %dma_wait3A, %dma_wait3A_319] : memref<2x16x128xf32, #tpu.memory_space<vmem>> -> memref<1x16x128xf32, #tpu.memory_space<vmem>>
            %dma_wait3A_321 = tpu.memref_squeeze %dma_wait3A_320 : memref<1x16x128xf32, #tpu.memory_space<vmem>> -> memref<16x128xf32, #tpu.memory_space<vmem>>
            %dma_wait3A_322 = arith.constant 0 : i32
            %dma_wait3A_323 = arith.constant 0 : i32
            %dma_wait3A_324 = tpu.memref_slice %run_scoped3A[%rem3A_230, %dma_wait3A_322, %dma_wait3A_323] : memref<2x1x16xi32, #tpu.memory_space<vmem>> -> memref<1x1x16xi32, #tpu.memory_space<vmem>>
            %dma_wait3A_325 = tpu.memref_squeeze %dma_wait3A_324 : memref<1x1x16xi32, #tpu.memory_space<vmem>> -> memref<1x16xi32, #tpu.memory_space<vmem>>
            %dma_wait3A_326 = arith.constant 0 : i32
            %dma_wait3A_327 = tpu.memref_slice %dma_wait3A_325[%run_scoped3A_233, %dma_wait3A_326] : memref<1x16xi32, #tpu.memory_space<vmem>> -> memref<1x16xi32, #tpu.memory_space<vmem>>
            %dma_wait3A_328 = tpu.memref_squeeze %dma_wait3A_327 : memref<1x16xi32, #tpu.memory_space<vmem>> -> memref<16xi32, #tpu.memory_space<vmem>>
            %dma_wait3A_329 = arith.constant 0 : i32
            %dma_wait3A_330 = arith.constant 0 : i32
            %dma_wait3A_331 = tpu.memref_slice %arg2[%dma_wait3A_329, %dma_wait3A_330] : memref<10000x128xf32, #tpu.memory_space<hbm>> -> memref<10000x128xf32, #tpu.memory_space<hbm>>
            tpu.wait_indirect_dma semaphore(%run_scoped3A_304 : memref<!tpu.dma_semaphore, #tpu.memory_space<semaphore_mem>>) src(%dma_wait3A_331 : memref<10000x128xf32, #tpu.memory_space<hbm>>) dst(%dma_wait3A_321 : memref<16x128xf32, #tpu.memory_space<vmem>>)
            tpu.yield
          }) : () -> ()
          "tpu.trace_stop"() : () -> ()
          %ne3A_234 = arith.cmpi ne, %add3A_155, %add3A_173 : i32
          %or3A_235 = arith.constant false
          %or3A_236 = arith.ori %or3A_235, %ne3A_234 : i1
          %or3A_237 = arith.constant false
          %or3A_238 = arith.ori %or3A_236, %or3A_237 : i1
          %or3A_239 = arith.ori %or3A_238, %eq3A_154 : i1
          %convert_element_type3A_240 = arith.extui %or3A_239 : i1 to i32
          %cond3A_241 = arith.constant 0 : i32
          %cond3A_242 = arith.cmpi ne, %convert_element_type3A_240, %cond3A_241 : i32
          scf.if %cond3A_242 {
          } else {
          }
          %and3A_243 = arith.constant false
          %and3A_244 = arith.andi %or3A_239, %and3A_243 : i1
          %ne3A_245 = arith.cmpi ne, %add3A_155, %add3A_173 : i32
          %or3A_246 = arith.constant false
          %or3A_247 = arith.ori %or3A_246, %ne3A_245 : i1
          %or3A_248 = arith.constant false
          %or3A_249 = arith.ori %or3A_247, %or3A_248 : i1
          %or3A_250 = arith.ori %or3A_249, %eq3A_154 : i1
          %convert_element_type3A_251 = arith.extui %or3A_250 : i1 to i32
          %cond3A_252 = arith.constant 0 : i32
          %cond3A_253 = arith.cmpi ne, %convert_element_type3A_251, %cond3A_252 : i32
          scf.if %cond3A_253 {
            "tpu.trace_start"() <{level = 10 : i32, message = "ep_copy_out"}> : () -> ()
            %rem3A_304 = arith.constant 2 : i32
            %rem3A_305 = arith.remui %while3A_145, %rem3A_304 : i32
            %mul3A_306 = arith.constant 16 : i32
            %mul3A_307 = arith.muli %mul3A_306, %add3A_155 : i32
            %dma_start3A_308 = arith.constant 0 : i32
            %dma_start3A_309 = arith.constant 0 : i32
            %dma_start3A_310 = tpu.memref_slice %run_scoped3A_18[%rem3A_305, %dma_start3A_308, %dma_start3A_309] : memref<2x16x128xf32, #tpu.memory_space<vmem>> -> memref<1x16x128xf32, #tpu.memory_space<vmem>>
            %dma_start3A_311 = tpu.memref_squeeze %dma_start3A_310 : memref<1x16x128xf32, #tpu.memory_space<vmem>> -> memref<16x128xf32, #tpu.memory_space<vmem>>
            %dma_start3A_312 = arith.constant 0 : i32
            %dma_start3A_313 = tpu.memref_slice %arg4[%mul3A_307, %dma_start3A_312] : memref<384x128xf32, #tpu.memory_space<hbm>> -> memref<16x128xf32, #tpu.memory_space<hbm>>
            %dma_start3A_314 = tpu.memref_slice %run_scoped3A_19[%rem3A_305] : memref<2x!tpu.dma_semaphore, #tpu.memory_space<semaphore_mem>> -> memref<1x!tpu.dma_semaphore, #tpu.memory_space<semaphore_mem>>
            %dma_start3A_315 = tpu.memref_squeeze %dma_start3A_314 : memref<1x!tpu.dma_semaphore, #tpu.memory_space<semaphore_mem>> -> memref<!tpu.dma_semaphore, #tpu.memory_space<semaphore_mem>>
            %dma_start3A_316 = arith.constant 0 : i32
            %dma_start3A_317 = tpu.memref_slice %arg4[%mul3A_307, %dma_start3A_316] : memref<384x128xf32, #tpu.memory_space<hbm>> -> memref<16x128xf32, #tpu.memory_space<hbm>>
            %dma_start3A_318 = arith.constant 0 : i32
            %dma_start3A_319 = arith.constant 0 : i32
            %dma_start3A_320 = tpu.memref_slice %run_scoped3A_18[%rem3A_305, %dma_start3A_318, %dma_start3A_319] : memref<2x16x128xf32, #tpu.memory_space<vmem>> -> memref<1x16x128xf32, #tpu.memory_space<vmem>>
            %dma_start3A_321 = tpu.memref_squeeze %dma_start3A_320 : memref<1x16x128xf32, #tpu.memory_space<vmem>> -> memref<16x128xf32, #tpu.memory_space<vmem>>
            tpu.enqueue_dma source(%dma_start3A_321 : memref<16x128xf32, #tpu.memory_space<vmem>>) target(%dma_start3A_317 : memref<16x128xf32, #tpu.memory_space<hbm>>) target_semaphore(%dma_start3A_315 : memref<!tpu.dma_semaphore, #tpu.memory_space<semaphore_mem>>)
            "tpu.trace_stop"() : () -> ()
          } else {
          }
          %and3A_254 = arith.constant true
          %and3A_255 = arith.andi %or3A_250, %and3A_254 : i1
          %add3A_256 = arith.constant 1 : i32
          %add3A_257 = arith.addi %while3A_145, %add3A_256 : i32
          %select_n3A_258 = arith.select %and3A_255, %add3A_257, %while3A_145 : i32
          %ne3A_259 = arith.cmpi ne, %add3A_155, %add3A_165 : i32
          %or3A_260 = arith.constant false
          %or3A_261 = arith.ori %or3A_260, %ne3A_259 : i1
          %or3A_262 = arith.constant false
          %or3A_263 = arith.ori %or3A_261, %or3A_262 : i1
          %not3A_264 = arith.constant true
          %not3A_265 = arith.xori %eq3A_151, %not3A_264 : i1
          %and3A_266 = arith.andi %or3A_263, %not3A_265 : i1
          %convert_element_type3A_267 = arith.extui %and3A_266 : i1 to i32
          %cond3A_268 = arith.constant 0 : i32
          %cond3A_269 = arith.cmpi ne, %convert_element_type3A_267, %cond3A_268 : i32
          scf.if %cond3A_269 {
          } else {
          }
          %and3A_270 = arith.constant false
          %and3A_271 = arith.andi %and3A_266, %and3A_270 : i1
          %ne3A_272 = arith.cmpi ne, %add3A_155, %add3A_165 : i32
          %or3A_273 = arith.constant false
          %or3A_274 = arith.ori %or3A_273, %ne3A_272 : i1
          %or3A_275 = arith.constant false
          %or3A_276 = arith.ori %or3A_274, %or3A_275 : i1
          %not3A_277 = arith.constant true
          %not3A_278 = arith.xori %eq3A_151, %not3A_277 : i1
          %and3A_279 = arith.andi %or3A_276, %not3A_278 : i1
          %convert_element_type3A_280 = arith.extui %and3A_279 : i1 to i32
          %cond3A_281 = arith.constant 0 : i32
          %cond3A_282 = arith.cmpi ne, %convert_element_type3A_280, %cond3A_281 : i32
          scf.if %cond3A_282 {
            "tpu.trace_start"() <{level = 10 : i32, message = "ep_wait_out"}> : () -> ()
            %rem3A_304 = arith.constant 2 : i32
            %rem3A_305 = arith.remui %while3A_146, %rem3A_304 : i32
            %mul3A_306 = arith.constant 16 : i32
            %mul3A_307 = arith.muli %mul3A_306, %add3A_165 : i32
            %dma_wait3A = arith.constant 0 : i32
            %dma_wait3A_308 = arith.constant 0 : i32
            %dma_wait3A_309 = tpu.memref_slice %run_scoped3A_18[%rem3A_305, %dma_wait3A, %dma_wait3A_308] : memref<2x16x128xf32, #tpu.memory_space<vmem>> -> memref<1x16x128xf32, #tpu.memory_space<vmem>>
            %dma_wait3A_310 = tpu.memref_squeeze %dma_wait3A_309 : memref<1x16x128xf32, #tpu.memory_space<vmem>> -> memref<16x128xf32, #tpu.memory_space<vmem>>
            %dma_wait3A_311 = arith.constant 0 : i32
            %dma_wait3A_312 = tpu.memref_slice %arg4[%mul3A_307, %dma_wait3A_311] : memref<384x128xf32, #tpu.memory_space<hbm>> -> memref<16x128xf32, #tpu.memory_space<hbm>>
            %dma_wait3A_313 = tpu.memref_slice %run_scoped3A_19[%rem3A_305] : memref<2x!tpu.dma_semaphore, #tpu.memory_space<semaphore_mem>> -> memref<1x!tpu.dma_semaphore, #tpu.memory_space<semaphore_mem>>
            %dma_wait3A_314 = tpu.memref_squeeze %dma_wait3A_313 : memref<1x!tpu.dma_semaphore, #tpu.memory_space<semaphore_mem>> -> memref<!tpu.dma_semaphore, #tpu.memory_space<semaphore_mem>>
            %dma_wait3A_315 = arith.constant 0 : i32
            %dma_wait3A_316 = tpu.memref_slice %arg4[%mul3A_307, %dma_wait3A_315] : memref<384x128xf32, #tpu.memory_space<hbm>> -> memref<16x128xf32, #tpu.memory_space<hbm>>
            %dma_wait3A_317 = arith.constant 0 : i32
            %dma_wait3A_318 = arith.constant 0 : i32
            %dma_wait3A_319 = tpu.memref_slice %run_scoped3A_18[%rem3A_305, %dma_wait3A_317, %dma_wait3A_318] : memref<2x16x128xf32, #tpu.memory_space<vmem>> -> memref<1x16x128xf32, #tpu.memory_space<vmem>>
            %dma_wait3A_320 = tpu.memref_squeeze %dma_wait3A_319 : memref<1x16x128xf32, #tpu.memory_space<vmem>> -> memref<16x128xf32, #tpu.memory_space<vmem>>
            tpu.wait_dma2 semaphore(%dma_wait3A_314 : memref<!tpu.dma_semaphore, #tpu.memory_space<semaphore_mem>>) src(%dma_wait3A_320 : memref<16x128xf32, #tpu.memory_space<vmem>>) dst(%dma_wait3A_316 : memref<16x128xf32, #tpu.memory_space<hbm>>)
            "tpu.trace_stop"() : () -> ()
          } else {
          }
          %and3A_283 = arith.constant true
          %and3A_284 = arith.andi %and3A_279, %and3A_283 : i1
          %add3A_285 = arith.constant 1 : i32
          %add3A_286 = arith.addi %while3A_146, %add3A_285 : i32
          %select_n3A_287 = arith.select %and3A_284, %add3A_286, %while3A_146 : i32
          %ne3A_288 = arith.cmpi ne, %add3A_155, %add3A_173 : i32
          %or3A_289 = arith.constant false
          %or3A_290 = arith.ori %or3A_289, %ne3A_288 : i1
          %or3A_291 = arith.constant false
          %or3A_292 = arith.ori %or3A_290, %or3A_291 : i1
          %or3A_293 = arith.ori %or3A_292, %eq3A_154 : i1
          %add3A_294 = arith.constant 1 : i32
          %add3A_295 = arith.addi %while3A_144, %add3A_294 : i32
          %select_n3A_296 = arith.select %or3A_293, %add3A_295, %while3A_144 : i32
          %add3A_297 = arith.constant 1 : i32
          %add3A_298 = arith.addi %while3A_147, %add3A_297 : i32
          %select_n3A_299 = arith.constant true
          %select_n3A_300 = arith.select %select_n3A_299, %add3A_298, %while3A_147 : i32
          %eq3A_301 = arith.cmpi eq, %select_n3A_300, %select_n3A : i32
          %select_n3A_302 = arith.constant 0 : i32
          %select_n3A_303 = arith.select %eq3A_301, %select_n3A_302, %select_n3A_300 : i32
          scf.yield %select_n3A_197, %select_n3A_296, %select_n3A_258, %select_n3A_287, %select_n3A_303 : i32, i32, i32, i32, i32
        }
        %sub3A_91 = arith.constant 1 : i32
        %sub3A_92 = arith.subi %while3A_90#4, %sub3A_91 : i32
        %select_n3A_93 = arith.constant true
        %select_n3A_94 = arith.select %select_n3A_93, %sub3A_92, %while3A_90#4 : i32
        %eq3A_95 = arith.constant -1 : i32
        %eq3A_96 = arith.cmpi eq, %select_n3A_94, %eq3A_95 : i32
        %sub3A_97 = arith.constant 1 : i32
        %sub3A_98 = arith.subi %select_n3A, %sub3A_97 : i32
        %select_n3A_99 = arith.select %eq3A_96, %sub3A_98, %select_n3A_94 : i32
        %sub3A_100 = arith.constant 1 : i32
        %sub3A_101 = arith.subi %mul3A_16, %sub3A_100 : i32
        %mul3A_102 = arith.constant 1 : i32
        %mul3A_103 = arith.muli %mul3A_102, %select_n3A : i32
        %eq3A_104 = arith.constant 0 : i32
        %eq3A_105 = arith.cmpi eq, %sub3A_101, %eq3A_104 : i32
        %sub3A_106 = arith.constant 1 : i32
        %sub3A_107 = arith.subi %mul3A_103, %sub3A_106 : i32
        %eq3A_108 = arith.cmpi eq, %sub3A_101, %sub3A_107 : i32
        %add3A_109 = arith.addi %select_n3A_99, %select_n3A_14 : i32
        %sub3A_110 = arith.constant 1 : i32
        %sub3A_111 = arith.subi %select_n3A_99, %sub3A_110 : i32
        %select_n3A_112 = arith.constant true
        %select_n3A_113 = arith.select %select_n3A_112, %sub3A_111, %select_n3A_99 : i32
        %eq3A_114 = arith.constant -1 : i32
        %eq3A_115 = arith.cmpi eq, %select_n3A_113, %eq3A_114 : i32
        %sub3A_116 = arith.constant 1 : i32
        %sub3A_117 = arith.subi %select_n3A, %sub3A_116 : i32
        %select_n3A_118 = arith.select %eq3A_115, %sub3A_117, %select_n3A_113 : i32
        %add3A_119 = arith.addi %select_n3A_118, %select_n3A_14 : i32
        %add3A_120 = arith.constant 1 : i32
        %add3A_121 = arith.addi %select_n3A_99, %add3A_120 : i32
        %select_n3A_122 = arith.constant true
        %select_n3A_123 = arith.select %select_n3A_122, %add3A_121, %select_n3A_99 : i32
        %eq3A_124 = arith.cmpi eq, %select_n3A_123, %select_n3A : i32
        %select_n3A_125 = arith.constant 0 : i32
        %select_n3A_126 = arith.select %eq3A_124, %select_n3A_125, %select_n3A_123 : i32
        %add3A_127 = arith.addi %select_n3A_126, %select_n3A_14 : i32
        %add3A_128 = arith.constant 1 : i32
        %add3A_129 = arith.addi %select_n3A_126, %add3A_128 : i32
        %select_n3A_130 = arith.constant true
        %select_n3A_131 = arith.select %select_n3A_130, %add3A_129, %select_n3A_126 : i32
        %eq3A_132 = arith.cmpi eq, %select_n3A_131, %select_n3A : i32
        %select_n3A_133 = arith.constant 0 : i32
        %select_n3A_134 = arith.select %eq3A_132, %select_n3A_133, %select_n3A_131 : i32
        %add3A_135 = arith.addi %select_n3A_134, %select_n3A_14 : i32
        %convert_element_type3A_136 = arith.extui %eq3A_108 : i1 to i32
        %cond3A_137 = arith.constant 0 : i32
        %cond3A_138 = arith.cmpi ne, %convert_element_type3A_136, %cond3A_137 : i32
        scf.if %cond3A_138 {
        } else {
        }
        %convert_element_type3A_139 = arith.extui %eq3A_108 : i1 to i32
        %cond3A_140 = arith.constant 0 : i32
        %cond3A_141 = arith.cmpi ne, %convert_element_type3A_139, %cond3A_140 : i32
        scf.if %cond3A_141 {
          "tpu.trace_start"() <{level = 10 : i32, message = "ep_finalize"}> : () -> ()
          %rem3A_142 = arith.constant 2 : i32
          %rem3A_143 = arith.remui %while3A_90#3, %rem3A_142 : i32
          %mul3A_144 = arith.constant 16 : i32
          %mul3A_145 = arith.muli %mul3A_144, %add3A_109 : i32
          %dma_wait3A = arith.constant 0 : i32
          %dma_wait3A_146 = arith.constant 0 : i32
          %dma_wait3A_147 = tpu.memref_slice %run_scoped3A_18[%rem3A_143, %dma_wait3A, %dma_wait3A_146] : memref<2x16x128xf32, #tpu.memory_space<vmem>> -> memref<1x16x128xf32, #tpu.memory_space<vmem>>
          %dma_wait3A_148 = tpu.memref_squeeze %dma_wait3A_147 : memref<1x16x128xf32, #tpu.memory_space<vmem>> -> memref<16x128xf32, #tpu.memory_space<vmem>>
          %dma_wait3A_149 = arith.constant 0 : i32
          %dma_wait3A_150 = tpu.memref_slice %arg4[%mul3A_145, %dma_wait3A_149] : memref<384x128xf32, #tpu.memory_space<hbm>> -> memref<16x128xf32, #tpu.memory_space<hbm>>
          %dma_wait3A_151 = tpu.memref_slice %run_scoped3A_19[%rem3A_143] : memref<2x!tpu.dma_semaphore, #tpu.memory_space<semaphore_mem>> -> memref<1x!tpu.dma_semaphore, #tpu.memory_space<semaphore_mem>>
          %dma_wait3A_152 = tpu.memref_squeeze %dma_wait3A_151 : memref<1x!tpu.dma_semaphore, #tpu.memory_space<semaphore_mem>> -> memref<!tpu.dma_semaphore, #tpu.memory_space<semaphore_mem>>
          %dma_wait3A_153 = arith.constant 0 : i32
          %dma_wait3A_154 = tpu.memref_slice %arg4[%mul3A_145, %dma_wait3A_153] : memref<384x128xf32, #tpu.memory_space<hbm>> -> memref<16x128xf32, #tpu.memory_space<hbm>>
          %dma_wait3A_155 = arith.constant 0 : i32
          %dma_wait3A_156 = arith.constant 0 : i32
          %dma_wait3A_157 = tpu.memref_slice %run_scoped3A_18[%rem3A_143, %dma_wait3A_155, %dma_wait3A_156] : memref<2x16x128xf32, #tpu.memory_space<vmem>> -> memref<1x16x128xf32, #tpu.memory_space<vmem>>
          %dma_wait3A_158 = tpu.memref_squeeze %dma_wait3A_157 : memref<1x16x128xf32, #tpu.memory_space<vmem>> -> memref<16x128xf32, #tpu.memory_space<vmem>>
          tpu.wait_dma2 semaphore(%dma_wait3A_152 : memref<!tpu.dma_semaphore, #tpu.memory_space<semaphore_mem>>) src(%dma_wait3A_158 : memref<16x128xf32, #tpu.memory_space<vmem>>) dst(%dma_wait3A_154 : memref<16x128xf32, #tpu.memory_space<hbm>>)
          "tpu.trace_stop"() : () -> ()
        } else {
        }
      } else {
      }
      tpu.yield
    }) : () -> ()
    return
  }
}

module attributes {stable_mosaic.version = 14 : i64} {
  func.func @_fused_body(%arg0: i32, %arg1: memref<384x128xf32, #tpu.memory_space<vmem>>, %arg2: memref<128x128xf32, #tpu.memory_space<vmem>>, %arg3: memref<128x128xf32, #tpu.memory_space<vmem>>, %arg4: memref<128x128xf32, #tpu.memory_space<vmem>>, %arg5: memref<128x128xf32, #tpu.memory_space<vmem>>, %arg6: memref<128x2048xf32, #tpu.memory_space<vmem>>, %arg7: memref<1x2048xf32, #tpu.memory_space<vmem>>, %arg8: memref<128x2048xf32, #tpu.memory_space<vmem>>, %arg9: memref<128x128xf32, #tpu.memory_space<vmem>>) attributes {dimension_semantics = [#tpu.dimension_semantics<arbitrary>], iteration_bounds = array<i64: 5>, scalar_prefetch = 0 : i64, scratch_operands = 1 : i64, tpu.core_type = #tpu.core_type<tc>, window_params = [{pipeline_mode = #tpu.pipeline_mode<synchronous>, transform_indices = @transform_0, window_bounds = array<i64: 384, 128>}, {pipeline_mode = #tpu.pipeline_mode<synchronous>, transform_indices = @transform_1, window_bounds = array<i64: 128, 128>}, {pipeline_mode = #tpu.pipeline_mode<synchronous>, transform_indices = @transform_2, window_bounds = array<i64: 128, 128>}, {pipeline_mode = #tpu.pipeline_mode<synchronous>, transform_indices = @transform_3, window_bounds = array<i64: 128, 128>}, {pipeline_mode = #tpu.pipeline_mode<synchronous>, transform_indices = @transform_4, window_bounds = array<i64: 128, 128>}, {transform_indices = @transform_5, window_bounds = array<i64: 128, 2048>}, {transform_indices = @transform_6, window_bounds = array<i64: 1, 2048>}, {transform_indices = @transform_7, window_bounds = array<i64: 128, 2048>}]} {
    %eq3A = arith.constant 0 : i32
    %eq3A_0 = arith.cmpi eq, %arg0, %eq3A : i32
    %convert_element_type3A = arith.extui %eq3A_0 : i1 to i32
    %cond3A = arith.constant 0 : i32
    %cond3A_1 = arith.cmpi ne, %convert_element_type3A, %cond3A : i32
    scf.if %cond3A_1 {
      %get3A_14 = arith.constant 0 : index
      %get3A_15 = arith.constant 0 : index
      %get3A_16 = vector.load %arg1[%get3A_14, %get3A_15] : memref<384x128xf32, #tpu.memory_space<vmem>>, vector<128x128xf32>
      %get3A_17 = arith.constant 128 : index
      %get3A_18 = arith.constant 0 : index
      %get3A_19 = vector.load %arg1[%get3A_17, %get3A_18] : memref<384x128xf32, #tpu.memory_space<vmem>>, vector<128x128xf32>
      %get3A_20 = arith.constant 256 : index
      %get3A_21 = arith.constant 0 : index
      %get3A_22 = vector.load %arg1[%get3A_20, %get3A_21] : memref<384x128xf32, #tpu.memory_space<vmem>>, vector<128x128xf32>
      %get3A_23 = arith.constant 0 : index
      %get3A_24 = arith.constant 0 : index
      %get3A_25 = vector.load %arg2[%get3A_23, %get3A_24] : memref<128x128xf32, #tpu.memory_space<vmem>>, vector<128x128xf32>
      %dot_general3A_26 = arith.constant dense<0.000000e+00> : vector<128x128xf32>
      %dot_general3A_27 = tpu.matmul %get3A_19, %get3A_25, %dot_general3A_26 {dimension_numbers = #tpu.dot_dimension_numbers<[1], [0], [0], [1], [0, 0, 1, 1], [], []>, transpose_lhs_hint = false} : vector<128x128xf32>, vector<128x128xf32>, vector<128x128xf32> -> vector<128x128xf32>
      %get3A_28 = arith.constant 0 : index
      %get3A_29 = arith.constant 0 : index
      %get3A_30 = vector.load %arg3[%get3A_28, %get3A_29] : memref<128x128xf32, #tpu.memory_space<vmem>>, vector<128x128xf32>
      %dot_general3A_31 = arith.constant dense<0.000000e+00> : vector<128x128xf32>
      %dot_general3A_32 = tpu.matmul %get3A_22, %get3A_30, %dot_general3A_31 {dimension_numbers = #tpu.dot_dimension_numbers<[1], [0], [0], [1], [0, 0, 1, 1], [], []>, transpose_lhs_hint = false} : vector<128x128xf32>, vector<128x128xf32>, vector<128x128xf32> -> vector<128x128xf32>
      %add3A_33 = arith.addf %dot_general3A_27, %dot_general3A_32 : vector<128x128xf32>
      %mul3A = arith.constant 5.000000e-01 : f32
      %mul3A_34 = vector.broadcast %mul3A : f32 to vector<128x128xf32>
      %mul3A_35 = arith.mulf %add3A_33, %mul3A_34 : vector<128x128xf32>
      %max3A = arith.constant 0.000000e+00 : f32
      %max3A_36 = vector.broadcast %max3A : f32 to vector<128x128xf32>
      %max3A_37 = arith.maximumf %mul3A_35, %max3A_36 : vector<128x128xf32>
      %get3A_38 = arith.constant 0 : index
      %get3A_39 = arith.constant 0 : index
      %get3A_40 = vector.load %arg2[%get3A_38, %get3A_39] : memref<128x128xf32, #tpu.memory_space<vmem>>, vector<128x128xf32>
      %dot_general3A_41 = arith.constant dense<0.000000e+00> : vector<128x128xf32>
      %dot_general3A_42 = tpu.matmul %get3A_16, %get3A_40, %dot_general3A_41 {dimension_numbers = #tpu.dot_dimension_numbers<[1], [0], [0], [1], [0, 0, 1, 1], [], []>, transpose_lhs_hint = false} : vector<128x128xf32>, vector<128x128xf32>, vector<128x128xf32> -> vector<128x128xf32>
      %get3A_43 = arith.constant 0 : index
      %get3A_44 = arith.constant 0 : index
      %get3A_45 = vector.load %arg3[%get3A_43, %get3A_44] : memref<128x128xf32, #tpu.memory_space<vmem>>, vector<128x128xf32>
      %dot_general3A_46 = arith.constant dense<0.000000e+00> : vector<128x128xf32>
      %dot_general3A_47 = tpu.matmul %get3A_19, %get3A_45, %dot_general3A_46 {dimension_numbers = #tpu.dot_dimension_numbers<[1], [0], [0], [1], [0, 0, 1, 1], [], []>, transpose_lhs_hint = false} : vector<128x128xf32>, vector<128x128xf32>, vector<128x128xf32> -> vector<128x128xf32>
      %add3A_48 = arith.addf %dot_general3A_42, %dot_general3A_47 : vector<128x128xf32>
      %mul3A_49 = arith.constant 5.000000e-01 : f32
      %mul3A_50 = vector.broadcast %mul3A_49 : f32 to vector<128x128xf32>
      %mul3A_51 = arith.mulf %add3A_48, %mul3A_50 : vector<128x128xf32>
      %max3A_52 = arith.constant 0.000000e+00 : f32
      %max3A_53 = vector.broadcast %max3A_52 : f32 to vector<128x128xf32>
      %max3A_54 = arith.maximumf %mul3A_51, %max3A_53 : vector<128x128xf32>
      %get3A_55 = arith.constant 0 : index
      %get3A_56 = arith.constant 0 : index
      %get3A_57 = vector.load %arg4[%get3A_55, %get3A_56] : memref<128x128xf32, #tpu.memory_space<vmem>>, vector<128x128xf32>
      %dot_general3A_58 = arith.constant dense<0.000000e+00> : vector<128x128xf32>
      %dot_general3A_59 = tpu.matmul %max3A_54, %get3A_57, %dot_general3A_58 {dimension_numbers = #tpu.dot_dimension_numbers<[1], [0], [0], [1], [0, 0, 1, 1], [], []>, transpose_lhs_hint = false} : vector<128x128xf32>, vector<128x128xf32>, vector<128x128xf32> -> vector<128x128xf32>
      %get3A_60 = arith.constant 0 : index
      %get3A_61 = arith.constant 0 : index
      %get3A_62 = vector.load %arg5[%get3A_60, %get3A_61] : memref<128x128xf32, #tpu.memory_space<vmem>>, vector<128x128xf32>
      %dot_general3A_63 = arith.constant dense<0.000000e+00> : vector<128x128xf32>
      %dot_general3A_64 = tpu.matmul %max3A_37, %get3A_62, %dot_general3A_63 {dimension_numbers = #tpu.dot_dimension_numbers<[1], [0], [0], [1], [0, 0, 1, 1], [], []>, transpose_lhs_hint = false} : vector<128x128xf32>, vector<128x128xf32>, vector<128x128xf32> -> vector<128x128xf32>
      %add3A_65 = arith.addf %dot_general3A_59, %dot_general3A_64 : vector<128x128xf32>
      %mul3A_66 = arith.constant 5.000000e-01 : f32
      %mul3A_67 = vector.broadcast %mul3A_66 : f32 to vector<128x128xf32>
      %mul3A_68 = arith.mulf %add3A_65, %mul3A_67 : vector<128x128xf32>
      %max3A_69 = arith.constant 0.000000e+00 : f32
      %max3A_70 = vector.broadcast %max3A_69 : f32 to vector<128x128xf32>
      %max3A_71 = arith.maximumf %mul3A_68, %max3A_70 : vector<128x128xf32>
      %swap3A_72 = arith.constant 0 : index
      %swap3A_73 = arith.constant 0 : index
      %swap3A_74 = vector.load %arg9[%swap3A_72, %swap3A_73] : memref<128x128xf32, #tpu.memory_space<vmem>>, vector<128x128xf32>
      tpu.vector_store %arg9[%swap3A_72, %swap3A_73], %max3A_71 {strides = array<i32>} : memref<128x128xf32, #tpu.memory_space<vmem>>, vector<128x128xf32>,
    } else {
    }
    %get3A = arith.constant 0 : index
    %get3A_2 = arith.constant 0 : index
    %get3A_3 = vector.load %arg9[%get3A, %get3A_2] : memref<128x128xf32, #tpu.memory_space<vmem>>, vector<128x128xf32>
    %get3A_4 = arith.constant 0 : index
    %get3A_5 = arith.constant 0 : index
    %get3A_6 = vector.load %arg6[%get3A_4, %get3A_5] : memref<128x2048xf32, #tpu.memory_space<vmem>>, vector<128x2048xf32>
    %dot_general3A = arith.constant dense<0.000000e+00> : vector<128x2048xf32>
    %dot_general3A_7 = tpu.matmul %get3A_3, %get3A_6, %dot_general3A {dimension_numbers = #tpu.dot_dimension_numbers<[1], [0], [0], [1], [0, 0, 1, 1], [], []>, transpose_lhs_hint = false} : vector<128x128xf32>, vector<128x2048xf32>, vector<128x2048xf32> -> vector<128x2048xf32>
    %get3A_8 = arith.constant 0 : index
    %get3A_9 = arith.constant 0 : index
    %get3A_10 = vector.load %arg7[%get3A_8, %get3A_9] : memref<1x2048xf32, #tpu.memory_space<vmem>>, vector<1x2048xf32>
    %add3A = vector.broadcast %get3A_10 : vector<1x2048xf32> to vector<128x2048xf32>
    %add3A_11 = arith.addf %dot_general3A_7, %add3A : vector<128x2048xf32>
    %swap3A = arith.constant 0 : index
    %swap3A_12 = arith.constant 0 : index
    %swap3A_13 = vector.load %arg8[%swap3A, %swap3A_12] : memref<128x2048xf32, #tpu.memory_space<vmem>>, vector<128x2048xf32>
    tpu.vector_store %arg8[%swap3A, %swap3A_12], %add3A_11 {strides = array<i32>} : memref<128x2048xf32, #tpu.memory_space<vmem>>, vector<128x2048xf32>,
    return
  }
  func.func @transform_0(%arg0: i32) -> (i32, i32) {
    %c0_i32 = arith.constant 0 : i32
    %c0_i32_0 = arith.constant 0 : i32
    %c0_i32_1 = arith.constant 0 : i32
    return %c0_i32, %c0_i32_0 : i32, i32
  }
  func.func @transform_1(%arg0: i32) -> (i32, i32) {
    %c0_i32 = arith.constant 0 : i32
    %c0_i32_0 = arith.constant 0 : i32
    %c0_i32_1 = arith.constant 0 : i32
    return %c0_i32, %c0_i32_0 : i32, i32
  }
  func.func @transform_2(%arg0: i32) -> (i32, i32) {
    %c0_i32 = arith.constant 0 : i32
    %c0_i32_0 = arith.constant 0 : i32
    %c0_i32_1 = arith.constant 0 : i32
    return %c0_i32, %c0_i32_0 : i32, i32
  }
  func.func @transform_3(%arg0: i32) -> (i32, i32) {
    %c0_i32 = arith.constant 0 : i32
    %c0_i32_0 = arith.constant 0 : i32
    %c0_i32_1 = arith.constant 0 : i32
    return %c0_i32, %c0_i32_0 : i32, i32
  }
  func.func @transform_4(%arg0: i32) -> (i32, i32) {
    %c0_i32 = arith.constant 0 : i32
    %c0_i32_0 = arith.constant 0 : i32
    %c0_i32_1 = arith.constant 0 : i32
    return %c0_i32, %c0_i32_0 : i32, i32
  }
  func.func @transform_5(%arg0: i32) -> (i32, i32) {
    %c0_i32 = arith.constant 0 : i32
    %c0_i32_0 = arith.constant 0 : i32
    return %c0_i32, %arg0 : i32, i32
  }
  func.func @transform_6(%arg0: i32) -> (i32, i32) {
    %c0_i32 = arith.constant 0 : i32
    %c0_i32_0 = arith.constant 0 : i32
    return %c0_i32, %arg0 : i32, i32
  }
  func.func @transform_7(%arg0: i32) -> (i32, i32) {
    %c0_i32 = arith.constant 0 : i32
    %c0_i32_0 = arith.constant 0 : i32
    return %c0_i32, %arg0 : i32, i32
  }
}

</mosaic_0001>

<sc_bundles>
// kernel: kernel.4.cloned.1.call-start
scs
__scs_entry_jumppad:
0x0: {  	(pc) =	sbr.rel $0x88, $3  }
0x1: {  	(tag) =	ssettag $0x0;
	lr =	simm.s32 $0x1  }
0x2: {  	[smem:$0x3F9C] =	sst lr;
	_ =	strace $0xD0000000  }
0x3: {  	_ = 	snop  }
0x4: {  	_ = 	snop  }
0x5: {  	_ = 	snop  }
0x6: {  	_ = 	snop  }
0x7: {  	_ = 	snop  }
__scs_overlays_trampoline_lowered:
0x8: {  	[smem:$0x3FAB] =	sst s0  }
0x9: {  	[smem:$0x3FAC] =	sst s1  }
0xa: {  	[smem:$0x3FAD] =	sst s2  }
0xb: {  	[smem:$0x3FAE] =	sst s3  }
0xc: {  	[smem:$0x3FAF] =	sst s4  }
0xd: {  	[smem:$0x3FB0] =	sst s5  }
0xe: {  	[smem:$0x3FB1] =	sst s6  }
0xf: {  	[smem:$0x3FB2] =	sst s7  }
0x10: {  	[smem:$0x3FB3] =	sst s8  }
0x11: {  	[smem:$0x3FB4] =	sst s9;
	s0 =	simm.s32 @!p0 $0x0  }
0x12: {  	s1 =	sld [smem:$0x3F9A];
	s0 =	simm.s32 @p0 $0x1  }
0x13: {  	[smem:$0x3FB5] =	sst s0;
	s0 =	simm.s32 @!p1 $0x0  }
0x14: {  	s2 =	sld [smem:$0x3F99];
	s0 =	simm.s32 @p1 $0x1  }
0x15: {  	[smem:$0x3FB6] =	sst s0;
	s0 =	simm.s32 @!p2 $0x0  }
0x16: {  	s3 =	sld [smem:$0x3FDB];
	s0 =	simm.s32 @p2 $0x1  }
0x17: {  	s4 =	simm.s32 $0x1BF5;
	[smem:$0x3FB8] =	sst s0  }
0x18: {  	s0 =	sld [smem:$0x3F9B];
	_ =	swait.ge [sflag:s4], $0x0  }
0x19: {  	s7 =	sld [smem:$0x3F9C]  }
0x1a: {  	s8 =	sadd.s32 $0xFFFFE003, lr  }
0x1b: {  	s9 =	sadd.s32 $0xFFFFFEF7, lr;
	s5 =	simm.s32 $0xFFFFFFFF;
	p2 =	slt.u32 s8, $0xFFFFF086  }
0x1c: {  	p1 =	slt.u32 s9, $0xF7A;
	s5 =	simm.s32 @!p2 $0x0  }
0x1d: {  	s5 =	simm.s32 @p1 $0x1;
	p0 =	seq.s32 s7, s2  }
0x1e: {  	s7 =	smul.u32 @!p0 $0xF7A, s2;
	p2 =	seq.s32 @!p0 s5, $0x0  }
0x1f: {  	s9 =	smul.u32 $0xF7A, s1;
	s8 =	simm.s32 @!p0 $0x1BF5;
	p2 =	por !p2, p0  }
0x20: {  	[sflag:s8] =	ssyncset.s32 @!p0 $0xFFFFF086;
	s6 =	sadd.s32 @!p0 s3, s7;
	s7 =	simm.s32 @!p0 $0x108  }
0x21: {  	s3 =	sadd.s32 s3, s9;
	s6 =	sadd.s32 @!p0 $0x88, s6;
	s7 =	simm.s32 @p2 $0x1082  }
0x22: {  	[simem:s7], [sflag:s8] =	dma.local @!p0 [hbm:s6], $0xF7A  }
0x23: {  	s9 =	sor.u32 $0xD0000000, s2;
	s6 =	simm.s32 $0x108;
	_ =	swait.ge @!p0 [sflag:s8], $0x0  }
0x24: {  	s3 =	sadd.s32 $0x88, s3;
	s6 =	simm.s32 @!p1 $0x1082;
	[sflag:s4] =	ssyncset.s32 $0xFFFFF086  }
0x25: {  	[simem:s6], [sflag:s4] =	dma.local [hbm:s3], $0xF7A  }
0x26: {  	[smem:$0x3F9C] =	sst s1;
	(tag) =	ssettag s2;
	_ =	strace s9  }
0x27: {  	s1 =	sld [smem:$0x3FAC]  }
0x28: {  	s2 =	sld [smem:$0x3FAD]  }
0x29: {  	s4 =	sld [smem:$0x3FAF]  }
0x2a: {  	p0 =	seq.s32 s5, $0x0;
	s5 =	sld [smem:$0x3FB0]  }
0x2b: {  	s6 =	sld [smem:$0x3FB1]  }
0x2c: {  	s7 =	sld [smem:$0x3FB2]  }
0x2d: {  	s3 =	simm.s32 $0x108;
	s8 =	sld [smem:$0x3FB3]  }
0x2e: {  	s3 =	simm.s32 @!p0 $0x1082;
	s9 =	sld [smem:$0x3FB4]  }
0x2f: {  	lr =	sadd.s32 s0, s3;
	s0 =	sld [smem:$0x3FAB]  }
0x30: {  	s3 =	sld [smem:$0x3FAE]  }
0x31: {  	[smem:$0x3FB7] =	sst s10  }
0x32: {  	s10 =	sld [smem:$0x3FB5];
	_ =	sdelay $0x3  }
0x33: {  	p0 =	seq.s32 s10, $0x1;
	s10 =	sld [smem:$0x3FB7];
	_ =	sdelay $0x3  }
0x34: {  	[smem:$0x3FB7] =	sst s10  }
0x35: {  	s10 =	sld [smem:$0x3FB6];
	_ =	sdelay $0x3  }
0x36: {  	p1 =	seq.s32 s10, $0x1;
	s10 =	sld [smem:$0x3FB7];
	_ =	sdelay $0x3  }
0x37: {  	[smem:$0x3FB7] =	sst s10  }
0x38: {  	s10 =	sld [smem:$0x3FB8]  }
0x39: {  	_ = 	snop;
	(pc) =	sbr.ind lr, $3  }
0x3a: {  	_ = 	snop  }
0x3b: {  	_ = 	snop  }
0x3c: {  	p2 =	seq.s32 s10, $0x1;
	s10 =	sld [smem:$0x3FB7]  }
0x3d: {  	_ =	shalt  }
0x3e: {  	_ =	shalt  }
0x3f: {  	_ =	shalt  }
0x40: {  	_ =	shalt  }
0x41: {  	_ =	shalt  }
0x42: {  	_ =	shalt  }
0x43: {  	_ =	shalt  }
0x44: {  	_ =	shalt  }
0x45: {  	_ =	shalt  }
0x46: {  	_ =	shalt  }
0x47: {  	_ =	shalt  }
0x48: {  	_ =	shalt  }
0x49: {  	_ =	shalt  }
0x4a: {  	_ =	shalt  }
0x4b: {  	_ =	shalt  }
0x4c: {  	_ =	shalt  }
0x4d: {  	_ =	shalt  }
0x4e: {  	_ =	shalt  }
0x4f: {  	_ =	shalt  }
0x50: {  	_ =	shalt  }
0x51: {  	_ =	shalt  }
0x52: {  	_ =	shalt  }
0x53: {  	_ =	shalt  }
0x54: {  	_ =	shalt  }
0x55: {  	_ =	shalt  }
0x56: {  	_ =	shalt  }
0x57: {  	_ =	shalt  }
0x58: {  	_ =	shalt  }
0x59: {  	_ =	shalt  }
0x5a: {  	_ =	shalt  }
0x5b: {  	_ =	shalt  }
0x5c: {  	_ =	shalt  }
0x5d: {  	_ =	shalt  }
0x5e: {  	_ =	shalt  }
0x5f: {  	_ =	shalt  }
0x60: {  	_ =	shalt  }
0x61: {  	_ =	shalt  }
0x62: {  	_ =	shalt  }
0x63: {  	_ =	shalt  }
0x64: {  	_ =	shalt  }
0x65: {  	_ =	shalt  }
0x66: {  	_ =	shalt  }
0x67: {  	_ =	shalt  }
0x68: {  	_ =	shalt  }
0x69: {  	_ =	shalt  }
0x6a: {  	_ =	shalt  }
0x6b: {  	_ =	shalt  }
0x6c: {  	_ =	shalt  }
0x6d: {  	_ =	shalt  }
0x6e: {  	_ =	shalt  }
0x6f: {  	_ =	shalt  }
0x70: {  	_ =	shalt  }
0x71: {  	_ =	shalt  }
0x72: {  	_ =	shalt  }
0x73: {  	_ =	shalt  }
0x74: {  	_ =	shalt  }
0x75: {  	_ =	shalt  }
0x76: {  	_ =	shalt  }
0x77: {  	_ =	shalt  }
0x78: {  	_ =	shalt  }
0x79: {  	_ =	shalt  }
0x7a: {  	_ =	shalt  }
0x7b: {  	_ =	shalt  }
0x7c: {  	_ =	shalt  }
0x7d: {  	_ =	shalt  }
0x7e: {  	_ =	shalt  }
0x7f: {  	_ =	shalt  }
0x80: {  	_ =	shalt  }
0x81: {  	_ =	shalt  }
0x82: {  	_ =	shalt  }
0x83: {  	_ =	shalt  }
0x84: {  	_ =	shalt  }
0x85: {  	_ =	shalt  }
0x86: {  	_ =	shalt  }
0x87: {  	_ =	shalt  }
.Lfunc_end0:
.L_simem_size_0:
called_computation_lowered:
.L_overlay_start_0:
0x88: {  	s2 =	sld [smem:$0x3FD9]  }
0x89: {  	s3 =	sld [smem:$0x3FFE];
	_ =	sdelay $0x1  }
0x8a: {  	s1 =	srdreg.scid  }
0x8b: {  	s0 =	sand.u32 $0x1, s1  }
0x8c: {  	s17 =	sshll.u32 s0, $0xA;
	s2 =	sadd.s32 s3, s2  }
0x8d: {  	s2 =	sadd.s32 s2, s17  }
0x8e: {  	[smem:$0x3FC3] =	sst s2  }
0x8f: {  	_ = 	snop  }
0x90: {  	s2 =	sld [smem:$0x3FC8]  }
0x91: {  	s18 =	sld [smem:$0x3FD0];
	(tm) =	ssettm $0x1  }
0x92: {  	s4 =	sld [smem:$0x3FFB];
	_ =	sdelay $0x3  }
0x93: {  	_ =	strace s4  }
0x94: {  	s4 =	sld [smem:$0x3FFC];
	_ =	sdelay $0x3  }
0x95: {  	_ =	strace s4  }
0x96: {  	s4 =	sld [smem:$0x3FFD];
	_ =	sdelay $0x3  }
0x97: {  	_ =	strace s4  }
0x98: {  	_ =	strace $0x8FFFFFFF  }
0x99: {  	s19 =	sld [smem:$0x3FDB];
	_ =	sdelay $0x1  }
0x9a: {  	s5 =	simm.s32 $_scs_section_size  }
0x9b: {  	s6 =	simm.s32 $_size__tile_overlayer_lowered;
	s7 =	simm.s32 $_tile_overlayer_lowered  }
0x9c: {  	s22 =	simm.s32 $0x1BFF;
	s21 =	sshll.u32 s7, $0x1;
	s4 =	sadd.s32 s5, s19  }
0x9d: {  	s8 =	simm.s32 $0x0;
	s20 =	sshll.u32 s6, $0x1;
	s6 =	sadd.s32 s21, s4  }
0x9e: {  	[timem:s8], [sflag:s22] =	dma.local [hbm:s6], s20  }
0x9f: {  	_ =	swait.ge [sflag:s22], s20  }
0xa0: {  	s5 =	ssub.s32 $0x0, s20;
	[sflag:s22] =	ssyncset.done $0x0  }
0xa1: {  	[sflag:s22] =	ssyncadd.s32 s5;
	_ =	sdelay $0x1  }
0xa2: {  	s23 =	simm.s32 $0x1B8B  }
0xa3: {  	_ =	swait.ge [sflag:s23], $0x1  }
0xa4: {  	[sflag:s23] =	ssyncset.done $0x0  }
0xa5: {  	s25 =	simm.s32 $0x1B8E;
	s24 =	sld [smem:$0x3FFE];
	[sflag:s23] =	ssyncadd.s32 $0xFFFFFFFF  }
0xa6: {  	s26 =	simm.s32 $execute0_lowered;
	[smem:$0x3FD2] =	sst s25  }
0xa7: {  	s6 =	sshll.u32 s26, $0x1;
	_ =	strace $0x80000046;
	[dreg:$0x1] =	wrdreg $0xFFFFFFFF  }
0xa8: {  	s28 =	simm.s32 $_size_execute0_lowered;
	s4 =	sadd.s32 s4, s6;
	[dreg:$0x0] =	wrdreg $0x0  }
0xa9: {  	s6 =	sshll.u32 s28, $0x1;
	[dreg:$0x2] =	wrdreg s4  }
0xaa: {  	[dreg:$0x3] =	wrdreg s6  }
0xab: {  	[dreg:$0x4] =	wrdreg $0xC0  }
0xac: {  	_ =	task [dreg:s8], $0x5FFFF  }
0xad: {  	[dreg:$0x1] =	wrdreg $0xFFFFFFFF  }
0xae: {  	[dreg:$0x0] =	wrdreg $0x60  }
0xaf: {  	[dreg:$0x2] =	wrdreg s2  }
0xb0: {  	[dreg:$0x3] =	wrdreg s24  }
0xb1: {  	[dreg:$0x4] =	wrdreg s18  }
0xb2: {  	[dreg:$0x5] =	wrdreg $0x9  }
0xb3: {  	_ =	task.clear_ibuf [dreg:s8], $0x6FFFF;
	_ =	strace $0x90000046  }
0xb4: {  	s29 =	simm.s32 $0x9;
	_ =	strace $0x8000004F  }
0xb5: {  	_ =	swait.ge [sflag:s29], $0x1  }
0xb6: {  	[sflag:s29] =	ssyncadd.s32 $0xFFFFFFFF  }
0xb7: {  	_ =	strace $0x9000004F  }
0xb8: {  	_ =	sfence  }
0xb9: {  	s30 =	sld [smem:$0x0];
	_ =	sdelay $0x2  }
0xba: {  	s31 =	sshll.u32 s1, $0xD;
	s1 =	sshrl.u32 s1, $0x2  }
0xbb: {  	s3 =	sand.u32 $0x4000, s31;
	s1 =	sadd.s32 s1, s30  }
0xbc: {  	s0 =	sor.u32 s3, s0;
	s1 =	sshll.u32 s1, $0x11  }
0xbd: {  	s0 =	sor.u32 s1, s0  }
0xbe: {  	s0 =	sadd.s32 $0x8F2B, s0  }
0xbf: {  	[sflag:s0] =	ssyncadd.remote.s32 $0x1  }
0xc0: {  	_ =	sfence.sel $0xFFFF  }
0xc1: {  	[dreg:$0x0] =	wrdreg $0xFFFFFFFF;
	(pc) =	sbr.abs _section_cstart, $3  }
0xc2: {  	[dreg:$0x1] =	wrdreg $0xFFFFFFFF  }
0xc3: {  	_ =	task.clear_ibuf [dreg:s8], $0x2FFFF;
	_ =	strace $0x9FFFFFFF  }
0xc4: {  	(tm) =	ssettm $0x7FFFFFFF  }
0xc5: {  	_ =	shalt  }
tec
execute0_lowered:
.L_overlay_start_1:
0x0: {  	(tag) =	ssettag $0x1  }
0x1: {  	s0 =	srdreg.scid  }
0x2: {  	s10 =	sand.u32 $0x1, s0  }
0x3: {  	s1 =	stileid.u32;
	s5 =	sshll.u32 s10, $0x4  }
0x4: {  	s5 =	sor.u32 s1, s5  }
0x5: {  	p0 =	sgt.u32 s5, $0x17  }
.Ltmp0:
0x6: {  	s2 =	rddreg [dreg:$0x0];
	(pc) =	sbr.rel @p0 .LBB2_4-.Ltmp0, $4  }
0x7: {  	s4 =	rddreg [dreg:$0x1]  }
0x8: {  	s9 =	rddreg [dreg:$0x2];
	s3 =	simm.s32 $0x0  }
0x9: {  	[smem:$0x7FF] =	sst s3  }
0xa: {  	s0 =	rddreg [dreg:$0x3];
	_ =	strace $0x80000047  }
0xb: {  	s11 =	smin.u32 s5, $0x18  }
0xc: {  	s5 =	sshll.u32 s11, $0x4  }
0xd: {  	s4 =	sadd.s32 s5, s4  }
0xe: {  	_ =	strace $0x80000048;
	s4 =	sadd.s32 $0x1200, s4  }
0xf: {  	[tilespmem:s3], [sflag:$0x1] =	stream.linear.gather [hbm4b:s4+s3], $0x80, $0x200038;
	[tilespmem:$0x1100] =	vst v63  }
0x10: {  	_ =	strace $0x90000048  }
0x11: {  	s5 =	simm.s32 $0x1;
	_ =	strace $0x8000004A  }
0x12: {  	_ =	swait.ge [sflag:s5], $0x80  }
0x13: {  	[sflag:s5] =	ssyncset.done $0x0  }
0x14: {  	[sflag:s5] =	ssyncadd.s32 $0xFFFFFF80  }
0x15: {  	s6 =	simm.s32 $0x10;
	_ =	strace $0x9000004A  }
0x16: {  	s7 =	simm.s32 $0x100;
	s8 =	simm.s32 $0x5;
	_ =	strace $0x8000004B  }
0x17: {  	[tilespmem:s7], [sflag:$0x5] =	stream.indirect.gather [hbm4b:s2+s6], $0x80, s3, s6, $0x2000b8;
	[tilespmem:$0x1100] =	vst v63  }
0x18: {  	s10 =	ssub.s32 $0x2, s10;
	_ =	swait.ge [sflag:s8], $0x800  }
0x19: {  	s11 =	sshll.u32 s11, $0x8;
	s31 =	sshrl.u32 s10, $0x1;
	[sflag:s8] =	ssyncset.done $0x0  }
0x1a: {  	s9 =	sadd.s32 s9, s11;
	s11 =	ssub.s32 s10, s31;
	[sflag:s8] =	ssyncadd.s32 $0xFFFFF800  }
0x1b: {  	s11 =	smax.u32 s11, $0x1;
	_ =	strace $0x9000004B  }
0x1c: {  	p0 =	sne.s32 s11, $0x1;
	_ =	strace $0x8000004C  }
0x1d: {  	[hbm4b:s9+s3] =	stream.linear.scatter [tilespmem:s7], [sflag:$0x3], $0x800, $0x200038;
	[tilespmem:$0x1100] =	vst v63  }
.Ltmp1:
0x1e: {  	_ =	strace $0x9000004C;
	(pc) =	sbr.rel @!p0 .LBB2_3-.Ltmp1, $4  }
0x1f: {  	s10 =	simm.s32 $0x3;
	_ =	strace $0x8000004E  }
0x20: {  	_ =	swait.ge [sflag:s10], $0x800  }
0x21: {  	[sflag:s10] =	ssyncset.done $0x0  }
0x22: {  	s11 =	sadd.s32 $0xFFFFFFFF, s11;
	[sflag:s10] =	ssyncadd.s32 $0xFFFFF800  }
.LBB2_2:
0x23: {  	p0 =	sne.s32 s11, $0x1;
	s11 =	sadd.s32 $0xFFFFFFFF, s11;
	_ =	strace $0x9000004E  }
0x24: {  	_ =	strace $0x80000048  }
0x25: {  	[tilespmem:s3], [sflag:$0x1] =	stream.linear.gather [hbm4b:s4+s3], $0x80, $0x200038;
	[tilespmem:$0x1100] =	vst v63  }
0x26: {  	_ =	strace $0x90000048  }
0x27: {  	_ =	strace $0x8000004A  }
0x28: {  	_ =	swait.ge [sflag:s5], $0x80  }
0x29: {  	[sflag:s5] =	ssyncset.done $0x0  }
0x2a: {  	[sflag:s5] =	ssyncadd.s32 $0xFFFFFF80  }
0x2b: {  	_ =	strace $0x9000004A  }
0x2c: {  	_ =	strace $0x8000004B  }
0x2d: {  	[tilespmem:s7], [sflag:$0x5] =	stream.indirect.gather [hbm4b:s2+s6], $0x80, s3, s6, $0x2000b8;
	[tilespmem:$0x1100] =	vst v63  }
0x2e: {  	_ =	swait.ge [sflag:s8], $0x800  }
0x2f: {  	[sflag:s8] =	ssyncset.done $0x0  }
0x30: {  	[sflag:s8] =	ssyncadd.s32 $0xFFFFF800  }
0x31: {  	_ =	strace $0x9000004B  }
0x32: {  	_ =	strace $0x8000004C  }
0x33: {  	[hbm4b:s9+s3] =	stream.linear.scatter [tilespmem:s7], [sflag:$0x3], $0x800, $0x200038;
	[tilespmem:$0x1100] =	vst v63  }
.Ltmp2:
0x34: {  	_ =	strace $0x9000004C;
	(pc) =	sbr.rel @p0 .LBB2_2-.Ltmp2, $4  }
0x35: {  	_ =	strace $0x8000004E  }
0x36: {  	_ =	swait.ge [sflag:s10], $0x800  }
0x37: {  	[sflag:s10] =	ssyncset.done $0x0  }
0x38: {  	[sflag:s10] =	ssyncadd.s32 $0xFFFFF800  }
.LBB2_3:
0x39: {  	_ =	strace $0x9000004E  }
.LBB2_4:
0x3a: {  	_ =	sfence.sel $0x180000  }
0x3b: {  	[bflag:$0x0] =	sbarrier.arrive $0xFFFF  }
0x3c: {  	p0 =	sne.s32 s1, $0x0;
	_ =	strace $0x90000047  }
0x3d: {  	s0 =	sadd.s32 @!p0 $0x100000, s0;
	[bflag:$0x2] =	sbarrier.arrive $0xFFFF  }
0x3e: {  	[sflag:s0] =	ssyncadd.tile.s32 @!p0 $0x1;
	_ =	shalt  }
.Lfunc_end2:
_tile_overlayer_lowered:
.L_overlay_start_2:
0x3f: {  	(tag) =	ssettag $0x2  }
0x40: {  	s0 =	rddreg [dreg:$0x0];
	s2 =	stileid.u32  }
0x41: {  	s1 =	rddreg [dreg:$0x1];
	p0 =	sne.s32 s2, $0x0  }
0x42: {  	s3 =	rddreg [dreg:$0x2];
	[bflag:$0x3] =	sbarrier.arrive $0xFFFF;
	s2 =	simm.s32 @!p0 $0x1C01  }
0x43: {  	[timem:s3], [sflag:s2] =	dma.local @!p0 [hbm:s0], s1  }
0x44: {  	s0 =	simm.s32 @!p0 $0x1  }
0x45: {  	_ =	swait.ge @!p0 [sflag:s0], s1  }
0x46: {  	s1 =	ssub.s32 @!p0 $0x0, s1;
	[sflag:s0] =	ssyncset.done @!p0 $0x0  }
0x47: {  	[sflag:s0] =	ssyncadd.s32 @!p0 s1  }
0x48: {  	[bflag:$0x3] =	sbarrier.arrive $0xFFFF  }
0x49: {  	_ =	shalt  }

</sc_bundles>
